<compile_context>
chip_gen: v7x
topology: tpu7x:2x2x1
jax: 0.10.2.dev20260603
libtpu: 0.0.44.dev20260713+nightly
codegen_flags: <defaults>
</compile_context>

<pallas_src>
import functools
import math

import jax
import jax.numpy as jnp
from jax import lax
from jax.experimental import pallas as pl
from jax.experimental.pallas import tpu as pltpu
from jax.experimental.pallas import tpu_sc as plsc

D_MODEL = 64
LANES = 16
NUM_CORES = 2
NUM_SUBCORES = 16
NUM_WORKERS = NUM_CORES * NUM_SUBCORES
G = 512
K = 1
CHUNK = G * K
NBUF = 3
SCALE = math.sqrt(D_MODEL)


def _sc_embedding(x2d, lut):
    num_groups = x2d.shape[0]
    b_total = num_groups * G
    groups_per_w = num_groups // NUM_WORKERS
    n_chunks = groups_per_w // K

    mesh = plsc.VectorSubcoreMesh(
        core_axis_name="c", subcore_axis_name="s",
        num_cores=NUM_CORES, num_subcores=NUM_SUBCORES,
    )

    @functools.partial(
        pl.kernel,
        out_type=jax.ShapeDtypeStruct((b_total, D_MODEL), jnp.float32),
        mesh=mesh,
        scratch_types=[
            pltpu.VMEM((groups_per_w, G), jnp.int32),
            pltpu.VMEM((NBUF * CHUNK, D_MODEL), jnp.float32),
            [pltpu.SemaphoreType.DMA] * NBUF,
            [pltpu.SemaphoreType.DMA] * NBUF,
        ],
        compiler_params=pltpu.CompilerParams(use_tc_tiling_on_sc=False),
    )
    def body(x_hbm, lut_hbm, out_hbm, idx_all, rows_v, sem_g, sem_o):
        wid = lax.axis_index("s") * NUM_CORES + lax.axis_index("c")
        g0 = wid * groups_per_w

        def rows_at(b):
            return rows_v.at[pl.ds(b * CHUNK, CHUNK)]

        def fire(cur, b):
            for j in range(K):
                pltpu.async_copy(
                    lut_hbm.at[idx_all.at[cur * K + j]],
                    rows_v.at[pl.ds(b * CHUNK + j * G, G)],
                    sem_g[b],
                )

        def drain_gathers(b):
            for j in range(K):
                pltpu.make_async_copy(
                    out_hbm.at[pl.ds(0, G)],
                    rows_v.at[pl.ds(b * CHUNK + j * G, G)],
                    sem_g[b],
                ).wait()

        def drain_out(b):
            pltpu.make_async_copy(
                out_hbm.at[pl.ds(0, CHUNK)], rows_at(b), sem_o[b]
            ).wait()

        def out_write(cur, b):
            pltpu.async_copy(
                rows_at(b),
                out_hbm.at[pl.ds((g0 + cur * K) * G, CHUNK)],
                sem_o[b],
            )

        def scale(b):
            @plsc.parallel_loop(0, CHUNK, unroll=8)
            def _scale(i):
                for j in range(D_MODEL // LANES):
                    sl = pl.ds(j * LANES, LANES)
                    rows_v[b * CHUNK + i, sl] = rows_v[b * CHUNK + i, sl] * SCALE

        pltpu.sync_copy(x_hbm.at[pl.ds(g0, groups_per_w)], idx_all)

        fire(0, 0)
        fire(1, 1)

        n_outer = (n_chunks + NBUF - 1) // NBUF

        @pl.loop(0, n_outer * NBUF, step=NBUF)
        def _outer(s):
            for b in range(NBUF):
                cur = s + b
                bf = (b + 2) % NBUF

                @pl.when(jnp.logical_and(cur + 2 < n_chunks, cur >= 1))
                def _():
                    drain_out(bf)
                    fire(cur + 2, bf)

                @pl.when(jnp.logical_and(cur + 2 < n_chunks, cur < 1))
                def _():
                    fire(cur + 2, bf)

                @pl.when(cur < n_chunks)
                def _():
                    drain_gathers(b)
                    scale(b)
                    out_write(cur, b)

        for b in range(NBUF):
            drain_out(b)

    return body(x2d, lut)


def kernel(x, lut):
    b, t = x.shape
    x2d = x.reshape(-1).astype(jnp.int32).reshape(-1, G)
    out = _sc_embedding(x2d, lut)
    return out.reshape(b, t, D_MODEL)

# --- scband reference (transcript-rebuilt; emitter-appended) ---
"""Pipeline reference for scband-text-embedding-31095563223740 (READ-ONLY COPY).

The authoritative reference and input builder live on the scoring server;
editing this copy changes nothing except your own understanding.
"""

import math
import jax, jax.numpy as jnp
import numpy as np

D_MODEL = 64
VOCAB = 1000000

def setup_inputs(seed: int = 0) -> dict:
    key = jax.random.key(seed)
    k1, k2 = jax.random.split(key)
    x = jax.random.randint(k1, (16384, 50), 0, VOCAB, dtype=jnp.int64)
    lut = jax.random.normal(k2, (VOCAB, D_MODEL), dtype=jnp.float32)
    return {"x": x, "lut": lut}

def reference(x, lut):
    emb = jnp.take(lut, x, axis=0)
    return emb * math.sqrt(D_MODEL)

if __name__ == "__main__":
    import jax
    _d = setup_inputs()
    print(jax.jit(kernel)(*tuple(_d.values())))

</pallas_src>

<mosaic_0001>
#map = affine_map<(d0, d1) -> (0, 0)>
module attributes {stable_mosaic.version = 14 : i64} {
  func.func @body(%arg0: i32, %arg1: i32, %arg2: memref<1600x512xi32, #tpu.memory_space<hbm>>, %arg3: memref<1000000x64xf32, #tpu.memory_space<hbm>>, %arg4: memref<819200x64xf32, #tpu.memory_space<hbm>>, %arg5: memref<50x512xi32, #tpu.memory_space<vmem>>, %arg6: memref<1536x64xf32, #tpu.memory_space<vmem>>, %arg7: memref<!tpu.dma_semaphore, #tpu.memory_space<semaphore_mem>>, %arg8: memref<!tpu.dma_semaphore, #tpu.memory_space<semaphore_mem>>, %arg9: memref<!tpu.dma_semaphore, #tpu.memory_space<semaphore_mem>>, %arg10: memref<!tpu.dma_semaphore, #tpu.memory_space<semaphore_mem>>, %arg11: memref<!tpu.dma_semaphore, #tpu.memory_space<semaphore_mem>>, %arg12: memref<!tpu.dma_semaphore, #tpu.memory_space<semaphore_mem>>) attributes {dimension_semantics = [#tpu.dimension_semantics<core_parallel>, #tpu.dimension_semantics<subcore_parallel>], iteration_bounds = array<i64: 2, 16>, scalar_prefetch = 0 : i64, scratch_operands = 8 : i64, tpu.core_type = #tpu.core_type<sc_vector_subcore>, window_params = [{transform_indices = #map}, {transform_indices = #map}, {transform_indices = #map}]} {
    %mul3A = arith.constant 2 : i32
    %mul3A_0 = arith.muli %arg1, %mul3A : i32
    %add3A = arith.addi %mul3A_0, %arg0 : i32
    %mul3A_1 = arith.constant 50 : i32
    %mul3A_2 = arith.muli %add3A, %mul3A_1 : i32
    "tpu.region"() ({
      %run_scoped3A = tpu.sem_alloc : memref<!tpu.dma_semaphore, #tpu.memory_space<semaphore_mem>>
      %dma_start3A_61 = arith.constant 0 : i32
      %dma_start3A_62 = tpu.memref_slice %arg2[%mul3A_2, %dma_start3A_61] : memref<1600x512xi32, #tpu.memory_space<hbm>> -> memref<50x512xi32, #tpu.memory_space<hbm>>
      %dma_start3A_63 = arith.constant 0 : i32
      %dma_start3A_64 = tpu.memref_slice %arg2[%mul3A_2, %dma_start3A_63] : memref<1600x512xi32, #tpu.memory_space<hbm>> -> memref<50x512xi32, #tpu.memory_space<hbm>>
      tpu.enqueue_dma source(%dma_start3A_64 : memref<50x512xi32, #tpu.memory_space<hbm>>) target(%arg5 : memref<50x512xi32, #tpu.memory_space<vmem>>) target_semaphore(%run_scoped3A : memref<!tpu.dma_semaphore, #tpu.memory_space<semaphore_mem>>)
      %dma_wait3A_65 = arith.constant 0 : i32
      %dma_wait3A_66 = tpu.memref_slice %arg2[%mul3A_2, %dma_wait3A_65] : memref<1600x512xi32, #tpu.memory_space<hbm>> -> memref<50x512xi32, #tpu.memory_space<hbm>>
      %dma_wait3A_67 = arith.constant 0 : i32
      %dma_wait3A_68 = tpu.memref_slice %arg2[%mul3A_2, %dma_wait3A_67] : memref<1600x512xi32, #tpu.memory_space<hbm>> -> memref<50x512xi32, #tpu.memory_space<hbm>>
      tpu.wait_dma2 semaphore(%run_scoped3A : memref<!tpu.dma_semaphore, #tpu.memory_space<semaphore_mem>>) src(%dma_wait3A_68 : memref<50x512xi32, #tpu.memory_space<hbm>>) dst(%arg5 : memref<50x512xi32, #tpu.memory_space<vmem>>)
      tpu.yield
    }) : () -> ()
    %dma_start3A = arith.constant 0 : i32
    %dma_start3A_3 = arith.constant 0 : i32
    %dma_start3A_4 = arith.constant 0 : i32
    %dma_start3A_5 = tpu.memref_slice %arg6[%dma_start3A_3, %dma_start3A_4] : memref<1536x64xf32, #tpu.memory_space<vmem>> -> memref<512x64xf32, #tpu.memory_space<vmem>>
    %dma_start3A_6 = arith.constant 0 : i32
    %dma_start3A_7 = tpu.memref_slice %arg5[%dma_start3A, %dma_start3A_6] : memref<50x512xi32, #tpu.memory_space<vmem>> -> memref<1x512xi32, #tpu.memory_space<vmem>>
    %dma_start3A_8 = tpu.memref_squeeze %dma_start3A_7 : memref<1x512xi32, #tpu.memory_space<vmem>> -> memref<512xi32, #tpu.memory_space<vmem>>
    %dma_start3A_9 = arith.constant 0 : i32
    %dma_start3A_10 = arith.constant 0 : i32
    %dma_start3A_11 = tpu.memref_slice %arg3[%dma_start3A_9, %dma_start3A_10] : memref<1000000x64xf32, #tpu.memory_space<hbm>> -> memref<1000000x64xf32, #tpu.memory_space<hbm>>
    tpu.enqueue_indirect_dma source(%dma_start3A_11 : memref<1000000x64xf32, #tpu.memory_space<hbm>>) target(%dma_start3A_5 : memref<512x64xf32, #tpu.memory_space<vmem>>) offsets(%dma_start3A_8 : memref<512xi32, #tpu.memory_space<vmem>>) semaphore(%arg7 : memref<!tpu.dma_semaphore, #tpu.memory_space<semaphore_mem>>)
    %dma_start3A_12 = arith.constant 1 : i32
    %dma_start3A_13 = arith.constant 512 : i32
    %dma_start3A_14 = arith.constant 0 : i32
    %dma_start3A_15 = tpu.memref_slice %arg6[%dma_start3A_13, %dma_start3A_14] : memref<1536x64xf32, #tpu.memory_space<vmem>> -> memref<512x64xf32, #tpu.memory_space<vmem>>
    %dma_start3A_16 = arith.constant 0 : i32
    %dma_start3A_17 = tpu.memref_slice %arg5[%dma_start3A_12, %dma_start3A_16] : memref<50x512xi32, #tpu.memory_space<vmem>> -> memref<1x512xi32, #tpu.memory_space<vmem>>
    %dma_start3A_18 = tpu.memref_squeeze %dma_start3A_17 : memref<1x512xi32, #tpu.memory_space<vmem>> -> memref<512xi32, #tpu.memory_space<vmem>>
    %dma_start3A_19 = arith.constant 0 : i32
    %dma_start3A_20 = arith.constant 0 : i32
    %dma_start3A_21 = tpu.memref_slice %arg3[%dma_start3A_19, %dma_start3A_20] : memref<1000000x64xf32, #tpu.memory_space<hbm>> -> memref<1000000x64xf32, #tpu.memory_space<hbm>>
    tpu.enqueue_indirect_dma source(%dma_start3A_21 : memref<1000000x64xf32, #tpu.memory_space<hbm>>) target(%dma_start3A_15 : memref<512x64xf32, #tpu.memory_space<vmem>>) offsets(%dma_start3A_18 : memref<512xi32, #tpu.memory_space<vmem>>) semaphore(%arg8 : memref<!tpu.dma_semaphore, #tpu.memory_space<semaphore_mem>>)
    %scan3A = arith.constant 0 : i32
    %scan3A_22 = arith.constant 17 : i32
    %scan3A_23 = arith.addi %scan3A, %scan3A_22 : i32
    %scan3A_24 = arith.constant 1 : i32
    scf.for %scan3A_61 = %scan3A to %scan3A_23 step %scan3A_24  : i32 {
      %mul3A_62 = arith.constant 3 : i32
      %mul3A_63 = arith.muli %scan3A_61, %mul3A_62 : i32
      %add3A_64 = arith.constant 0 : i32
      %add3A_65 = arith.addi %add3A_64, %mul3A_63 : i32
      %add3A_66 = arith.constant 0 : i32
      %add3A_67 = arith.addi %add3A_65, %add3A_66 : i32
      %add3A_68 = arith.constant 2 : i32
      %add3A_69 = arith.addi %add3A_67, %add3A_68 : i32
      %lt3A = arith.constant 50 : i32
      %lt3A_70 = arith.cmpi slt, %add3A_69, %lt3A : i32
      %ge3A = arith.constant 1 : i32
      %ge3A_71 = arith.cmpi sge, %add3A_67, %ge3A : i32
      %and3A = arith.andi %lt3A_70, %ge3A_71 : i1
      %convert_element_type3A = arith.extui %and3A : i1 to i32
      %cond3A = arith.constant 0 : i32
      %cond3A_72 = arith.cmpi ne, %convert_element_type3A, %cond3A : i32
      scf.if %cond3A_72 {
        %dma_wait3A_142 = arith.constant 1024 : i32
        %dma_wait3A_143 = arith.constant 0 : i32
        %dma_wait3A_144 = tpu.memref_slice %arg6[%dma_wait3A_142, %dma_wait3A_143] : memref<1536x64xf32, #tpu.memory_space<vmem>> -> memref<512x64xf32, #tpu.memory_space<vmem>>
        %dma_wait3A_145 = arith.constant 0 : i32
        %dma_wait3A_146 = arith.constant 0 : i32
        %dma_wait3A_147 = tpu.memref_slice %arg4[%dma_wait3A_145, %dma_wait3A_146] : memref<819200x64xf32, #tpu.memory_space<hbm>> -> memref<512x64xf32, #tpu.memory_space<hbm>>
        %dma_wait3A_148 = arith.constant 1024 : i32
        %dma_wait3A_149 = arith.constant 0 : i32
        %dma_wait3A_150 = tpu.memref_slice %arg6[%dma_wait3A_148, %dma_wait3A_149] : memref<1536x64xf32, #tpu.memory_space<vmem>> -> memref<512x64xf32, #tpu.memory_space<vmem>>
        %dma_wait3A_151 = arith.constant 0 : i32
        %dma_wait3A_152 = arith.constant 0 : i32
        %dma_wait3A_153 = tpu.memref_slice %arg4[%dma_wait3A_151, %dma_wait3A_152] : memref<819200x64xf32, #tpu.memory_space<hbm>> -> memref<512x64xf32, #tpu.memory_space<hbm>>
        tpu.wait_dma2 semaphore(%arg12 : memref<!tpu.dma_semaphore, #tpu.memory_space<semaphore_mem>>) src(%dma_wait3A_153 : memref<512x64xf32, #tpu.memory_space<hbm>>) dst(%dma_wait3A_150 : memref<512x64xf32, #tpu.memory_space<vmem>>)
        %add3A_154 = arith.constant 2 : i32
        %add3A_155 = arith.addi %add3A_67, %add3A_154 : i32
        %mul3A_156 = arith.constant 1 : i32
        %mul3A_157 = arith.muli %add3A_155, %mul3A_156 : i32
        %add3A_158 = arith.constant 0 : i32
        %add3A_159 = arith.addi %mul3A_157, %add3A_158 : i32
        %dma_start3A_160 = arith.constant 1024 : i32
        %dma_start3A_161 = arith.constant 0 : i32
        %dma_start3A_162 = tpu.memref_slice %arg6[%dma_start3A_160, %dma_start3A_161] : memref<1536x64xf32, #tpu.memory_space<vmem>> -> memref<512x64xf32, #tpu.memory_space<vmem>>
        %dma_start3A_163 = arith.constant 0 : i32
        %dma_start3A_164 = tpu.memref_slice %arg5[%add3A_159, %dma_start3A_163] : memref<50x512xi32, #tpu.memory_space<vmem>> -> memref<1x512xi32, #tpu.memory_space<vmem>>
        %dma_start3A_165 = tpu.memref_squeeze %dma_start3A_164 : memref<1x512xi32, #tpu.memory_space<vmem>> -> memref<512xi32, #tpu.memory_space<vmem>>
        %dma_start3A_166 = arith.constant 0 : i32
        %dma_start3A_167 = arith.constant 0 : i32
        %dma_start3A_168 = tpu.memref_slice %arg3[%dma_start3A_166, %dma_start3A_167] : memref<1000000x64xf32, #tpu.memory_space<hbm>> -> memref<1000000x64xf32, #tpu.memory_space<hbm>>
        tpu.enqueue_indirect_dma source(%dma_start3A_168 : memref<1000000x64xf32, #tpu.memory_space<hbm>>) target(%dma_start3A_162 : memref<512x64xf32, #tpu.memory_space<vmem>>) offsets(%dma_start3A_165 : memref<512xi32, #tpu.memory_space<vmem>>) semaphore(%arg9 : memref<!tpu.dma_semaphore, #tpu.memory_space<semaphore_mem>>)
      } else {
      }
      %add3A_73 = arith.constant 2 : i32
      %add3A_74 = arith.addi %add3A_67, %add3A_73 : i32
      %lt3A_75 = arith.constant 50 : i32
      %lt3A_76 = arith.cmpi slt, %add3A_74, %lt3A_75 : i32
      %lt3A_77 = arith.constant 1 : i32
      %lt3A_78 = arith.cmpi slt, %add3A_67, %lt3A_77 : i32
      %and3A_79 = arith.andi %lt3A_76, %lt3A_78 : i1
      %convert_element_type3A_80 = arith.extui %and3A_79 : i1 to i32
      %cond3A_81 = arith.constant 0 : i32
      %cond3A_82 = arith.cmpi ne, %convert_element_type3A_80, %cond3A_81 : i32
      scf.if %cond3A_82 {
        %add3A_142 = arith.constant 2 : i32
        %add3A_143 = arith.addi %add3A_67, %add3A_142 : i32
        %mul3A_144 = arith.constant 1 : i32
        %mul3A_145 = arith.muli %add3A_143, %mul3A_144 : i32
        %add3A_146 = arith.constant 0 : i32
        %add3A_147 = arith.addi %mul3A_145, %add3A_146 : i32
        %dma_start3A_148 = arith.constant 1024 : i32
        %dma_start3A_149 = arith.constant 0 : i32
        %dma_start3A_150 = tpu.memref_slice %arg6[%dma_start3A_148, %dma_start3A_149] : memref<1536x64xf32, #tpu.memory_space<vmem>> -> memref<512x64xf32, #tpu.memory_space<vmem>>
        %dma_start3A_151 = arith.constant 0 : i32
        %dma_start3A_152 = tpu.memref_slice %arg5[%add3A_147, %dma_start3A_151] : memref<50x512xi32, #tpu.memory_space<vmem>> -> memref<1x512xi32, #tpu.memory_space<vmem>>
        %dma_start3A_153 = tpu.memref_squeeze %dma_start3A_152 : memref<1x512xi32, #tpu.memory_space<vmem>> -> memref<512xi32, #tpu.memory_space<vmem>>
        %dma_start3A_154 = arith.constant 0 : i32
        %dma_start3A_155 = arith.constant 0 : i32
        %dma_start3A_156 = tpu.memref_slice %arg3[%dma_start3A_154, %dma_start3A_155] : memref<1000000x64xf32, #tpu.memory_space<hbm>> -> memref<1000000x64xf32, #tpu.memory_space<hbm>>
        tpu.enqueue_indirect_dma source(%dma_start3A_156 : memref<1000000x64xf32, #tpu.memory_space<hbm>>) target(%dma_start3A_150 : memref<512x64xf32, #tpu.memory_space<vmem>>) offsets(%dma_start3A_153 : memref<512xi32, #tpu.memory_space<vmem>>) semaphore(%arg9 : memref<!tpu.dma_semaphore, #tpu.memory_space<semaphore_mem>>)
      } else {
      }
      %lt3A_83 = arith.constant 50 : i32
      %lt3A_84 = arith.cmpi slt, %add3A_67, %lt3A_83 : i32
      %convert_element_type3A_85 = arith.extui %lt3A_84 : i1 to i32
      %cond3A_86 = arith.constant 0 : i32
      %cond3A_87 = arith.cmpi ne, %convert_element_type3A_85, %cond3A_86 : i32
      scf.if %cond3A_87 {
        %dma_wait3A_142 = arith.constant 0 : i32
        %dma_wait3A_143 = arith.constant 0 : i32
        %dma_wait3A_144 = tpu.memref_slice %arg6[%dma_wait3A_142, %dma_wait3A_143] : memref<1536x64xf32, #tpu.memory_space<vmem>> -> memref<512x64xf32, #tpu.memory_space<vmem>>
        %dma_wait3A_145 = arith.constant 0 : i32
        %dma_wait3A_146 = arith.constant 0 : i32
        %dma_wait3A_147 = tpu.memref_slice %arg4[%dma_wait3A_145, %dma_wait3A_146] : memref<819200x64xf32, #tpu.memory_space<hbm>> -> memref<512x64xf32, #tpu.memory_space<hbm>>
        %dma_wait3A_148 = arith.constant 0 : i32
        %dma_wait3A_149 = arith.constant 0 : i32
        %dma_wait3A_150 = tpu.memref_slice %arg6[%dma_wait3A_148, %dma_wait3A_149] : memref<1536x64xf32, #tpu.memory_space<vmem>> -> memref<512x64xf32, #tpu.memory_space<vmem>>
        %dma_wait3A_151 = arith.constant 0 : i32
        %dma_wait3A_152 = arith.constant 0 : i32
        %dma_wait3A_153 = tpu.memref_slice %arg4[%dma_wait3A_151, %dma_wait3A_152] : memref<819200x64xf32, #tpu.memory_space<hbm>> -> memref<512x64xf32, #tpu.memory_space<hbm>>
        tpu.wait_dma2 semaphore(%arg7 : memref<!tpu.dma_semaphore, #tpu.memory_space<semaphore_mem>>) src(%dma_wait3A_153 : memref<512x64xf32, #tpu.memory_space<hbm>>) dst(%dma_wait3A_150 : memref<512x64xf32, #tpu.memory_space<vmem>>)
        %parallel_loop3A = arith.constant 0 : i32
        %parallel_loop3A_154 = arith.constant 512 : i32
        %parallel_loop3A_155 = arith.constant 1 : i32
        scf.for %parallel_loop3A_171 = %parallel_loop3A to %parallel_loop3A_154 step %parallel_loop3A_155  : i32 {
          %parallel_loop3A_172 = arith.constant 0 : i32
          %parallel_loop3A_173 = arith.addi %parallel_loop3A_172, %parallel_loop3A_171 : i32
          %parallel_loop3A_174 = arith.index_cast %parallel_loop3A_173 : i32 to index
          %parallel_loop3A_175 = arith.constant 0 : index
          %parallel_loop3A_176 = tpu.vector_load %arg6[%parallel_loop3A_174, %parallel_loop3A_175] {strides = array<i32>} : memref<1536x64xf32, #tpu.memory_space<vmem>>, vector<1x16xf32>,
          %parallel_loop3A_177 = vector.shape_cast %parallel_loop3A_176 : vector<1x16xf32> to vector<16xf32>
          %parallel_loop3A_178 = arith.constant 8.000000e+00 : f32
          %parallel_loop3A_179 = vector.broadcast %parallel_loop3A_178 : f32 to vector<16xf32>
          %parallel_loop3A_180 = arith.mulf %parallel_loop3A_177, %parallel_loop3A_179 : vector<16xf32>
          %parallel_loop3A_181 = arith.constant 0 : i32
          %parallel_loop3A_182 = arith.addi %parallel_loop3A_181, %parallel_loop3A_171 : i32
          %parallel_loop3A_183 = arith.index_cast %parallel_loop3A_182 : i32 to index
          %parallel_loop3A_184 = arith.constant 0 : index
          %parallel_loop3A_185 = tpu.vector_load %arg6[%parallel_loop3A_183, %parallel_loop3A_184] {strides = array<i32>} : memref<1536x64xf32, #tpu.memory_space<vmem>>, vector<1x16xf32>,
          %parallel_loop3A_186 = vector.shape_cast %parallel_loop3A_185 : vector<1x16xf32> to vector<16xf32>
          %parallel_loop3A_187 = vector.shape_cast %parallel_loop3A_180 : vector<16xf32> to vector<1x16xf32>
          tpu.vector_store %arg6[%parallel_loop3A_183, %parallel_loop3A_184], %parallel_loop3A_187 {strides = array<i32>} : memref<1536x64xf32, #tpu.memory_space<vmem>>, vector<1x16xf32>,
          %parallel_loop3A_188 = arith.constant 0 : i32
          %parallel_loop3A_189 = arith.addi %parallel_loop3A_188, %parallel_loop3A_171 : i32
          %parallel_loop3A_190 = arith.index_cast %parallel_loop3A_189 : i32 to index
          %parallel_loop3A_191 = arith.constant 16 : index
          %parallel_loop3A_192 = tpu.vector_load %arg6[%parallel_loop3A_190, %parallel_loop3A_191] {strides = array<i32>} : memref<1536x64xf32, #tpu.memory_space<vmem>>, vector<1x16xf32>,
          %parallel_loop3A_193 = vector.shape_cast %parallel_loop3A_192 : vector<1x16xf32> to vector<16xf32>
          %parallel_loop3A_194 = arith.constant 8.000000e+00 : f32
          %parallel_loop3A_195 = vector.broadcast %parallel_loop3A_194 : f32 to vector<16xf32>
          %parallel_loop3A_196 = arith.mulf %parallel_loop3A_193, %parallel_loop3A_195 : vector<16xf32>
          %parallel_loop3A_197 = arith.constant 0 : i32
          %parallel_loop3A_198 = arith.addi %parallel_loop3A_197, %parallel_loop3A_171 : i32
          %parallel_loop3A_199 = arith.index_cast %parallel_loop3A_198 : i32 to index
          %parallel_loop3A_200 = arith.constant 16 : index
          %parallel_loop3A_201 = tpu.vector_load %arg6[%parallel_loop3A_199, %parallel_loop3A_200] {strides = array<i32>} : memref<1536x64xf32, #tpu.memory_space<vmem>>, vector<1x16xf32>,
          %parallel_loop3A_202 = vector.shape_cast %parallel_loop3A_201 : vector<1x16xf32> to vector<16xf32>
          %parallel_loop3A_203 = vector.shape_cast %parallel_loop3A_196 : vector<16xf32> to vector<1x16xf32>
          tpu.vector_store %arg6[%parallel_loop3A_199, %parallel_loop3A_200], %parallel_loop3A_203 {strides = array<i32>} : memref<1536x64xf32, #tpu.memory_space<vmem>>, vector<1x16xf32>,
          %parallel_loop3A_204 = arith.constant 0 : i32
          %parallel_loop3A_205 = arith.addi %parallel_loop3A_204, %parallel_loop3A_171 : i32
          %parallel_loop3A_206 = arith.index_cast %parallel_loop3A_205 : i32 to index
          %parallel_loop3A_207 = arith.constant 32 : index
          %parallel_loop3A_208 = tpu.vector_load %arg6[%parallel_loop3A_206, %parallel_loop3A_207] {strides = array<i32>} : memref<1536x64xf32, #tpu.memory_space<vmem>>, vector<1x16xf32>,
          %parallel_loop3A_209 = vector.shape_cast %parallel_loop3A_208 : vector<1x16xf32> to vector<16xf32>
          %parallel_loop3A_210 = arith.constant 8.000000e+00 : f32
          %parallel_loop3A_211 = vector.broadcast %parallel_loop3A_210 : f32 to vector<16xf32>
          %parallel_loop3A_212 = arith.mulf %parallel_loop3A_209, %parallel_loop3A_211 : vector<16xf32>
          %parallel_loop3A_213 = arith.constant 0 : i32
          %parallel_loop3A_214 = arith.addi %parallel_loop3A_213, %parallel_loop3A_171 : i32
          %parallel_loop3A_215 = arith.index_cast %parallel_loop3A_214 : i32 to index
          %parallel_loop3A_216 = arith.constant 32 : index
          %parallel_loop3A_217 = tpu.vector_load %arg6[%parallel_loop3A_215, %parallel_loop3A_216] {strides = array<i32>} : memref<1536x64xf32, #tpu.memory_space<vmem>>, vector<1x16xf32>,
          %parallel_loop3A_218 = vector.shape_cast %parallel_loop3A_217 : vector<1x16xf32> to vector<16xf32>
          %parallel_loop3A_219 = vector.shape_cast %parallel_loop3A_212 : vector<16xf32> to vector<1x16xf32>
          tpu.vector_store %arg6[%parallel_loop3A_215, %parallel_loop3A_216], %parallel_loop3A_219 {strides = array<i32>} : memref<1536x64xf32, #tpu.memory_space<vmem>>, vector<1x16xf32>,
          %parallel_loop3A_220 = arith.constant 0 : i32
          %parallel_loop3A_221 = arith.addi %parallel_loop3A_220, %parallel_loop3A_171 : i32
          %parallel_loop3A_222 = arith.index_cast %parallel_loop3A_221 : i32 to index
          %parallel_loop3A_223 = arith.constant 48 : index
          %parallel_loop3A_224 = tpu.vector_load %arg6[%parallel_loop3A_222, %parallel_loop3A_223] {strides = array<i32>} : memref<1536x64xf32, #tpu.memory_space<vmem>>, vector<1x16xf32>,
          %parallel_loop3A_225 = vector.shape_cast %parallel_loop3A_224 : vector<1x16xf32> to vector<16xf32>
          %parallel_loop3A_226 = arith.constant 8.000000e+00 : f32
          %parallel_loop3A_227 = vector.broadcast %parallel_loop3A_226 : f32 to vector<16xf32>
          %parallel_loop3A_228 = arith.mulf %parallel_loop3A_225, %parallel_loop3A_227 : vector<16xf32>
          %parallel_loop3A_229 = arith.constant 0 : i32
          %parallel_loop3A_230 = arith.addi %parallel_loop3A_229, %parallel_loop3A_171 : i32
          %parallel_loop3A_231 = arith.index_cast %parallel_loop3A_230 : i32 to index
          %parallel_loop3A_232 = arith.constant 48 : index
          %parallel_loop3A_233 = tpu.vector_load %arg6[%parallel_loop3A_231, %parallel_loop3A_232] {strides = array<i32>} : memref<1536x64xf32, #tpu.memory_space<vmem>>, vector<1x16xf32>,
          %parallel_loop3A_234 = vector.shape_cast %parallel_loop3A_233 : vector<1x16xf32> to vector<16xf32>
          %parallel_loop3A_235 = vector.shape_cast %parallel_loop3A_228 : vector<16xf32> to vector<1x16xf32>
          tpu.vector_store %arg6[%parallel_loop3A_231, %parallel_loop3A_232], %parallel_loop3A_235 {strides = array<i32>} : memref<1536x64xf32, #tpu.memory_space<vmem>>, vector<1x16xf32>,
        } {sc.loop_unroll_factor = 8 : i64, sc.parallel_access}
        %mul3A_156 = arith.constant 1 : i32
        %mul3A_157 = arith.muli %add3A_67, %mul3A_156 : i32
        %add3A_158 = arith.addi %mul3A_2, %mul3A_157 : i32
        %mul3A_159 = arith.constant 512 : i32
        %mul3A_160 = arith.muli %add3A_158, %mul3A_159 : i32
        %dma_start3A_161 = arith.constant 0 : i32
        %dma_start3A_162 = arith.constant 0 : i32
        %dma_start3A_163 = tpu.memref_slice %arg6[%dma_start3A_161, %dma_start3A_162] : memref<1536x64xf32, #tpu.memory_space<vmem>> -> memref<512x64xf32, #tpu.memory_space<vmem>>
        %dma_start3A_164 = arith.constant 0 : i32
        %dma_start3A_165 = tpu.memref_slice %arg4[%mul3A_160, %dma_start3A_164] : memref<819200x64xf32, #tpu.memory_space<hbm>> -> memref<512x64xf32, #tpu.memory_space<hbm>>
        %dma_start3A_166 = arith.constant 0 : i32
        %dma_start3A_167 = tpu.memref_slice %arg4[%mul3A_160, %dma_start3A_166] : memref<819200x64xf32, #tpu.memory_space<hbm>> -> memref<512x64xf32, #tpu.memory_space<hbm>>
        %dma_start3A_168 = arith.constant 0 : i32
        %dma_start3A_169 = arith.constant 0 : i32
        %dma_start3A_170 = tpu.memref_slice %arg6[%dma_start3A_168, %dma_start3A_169] : memref<1536x64xf32, #tpu.memory_space<vmem>> -> memref<512x64xf32, #tpu.memory_space<vmem>>
        tpu.enqueue_dma source(%dma_start3A_170 : memref<512x64xf32, #tpu.memory_space<vmem>>) target(%dma_start3A_167 : memref<512x64xf32, #tpu.memory_space<hbm>>) target_semaphore(%arg10 : memref<!tpu.dma_semaphore, #tpu.memory_space<semaphore_mem>>)
      } else {
      }
      %add3A_88 = arith.constant 1 : i32
      %add3A_89 = arith.addi %add3A_65, %add3A_88 : i32
      %add3A_90 = arith.constant 2 : i32
      %add3A_91 = arith.addi %add3A_89, %add3A_90 : i32
      %lt3A_92 = arith.constant 50 : i32
      %lt3A_93 = arith.cmpi slt, %add3A_91, %lt3A_92 : i32
      %ge3A_94 = arith.constant 1 : i32
      %ge3A_95 = arith.cmpi sge, %add3A_89, %ge3A_94 : i32
      %and3A_96 = arith.andi %lt3A_93, %ge3A_95 : i1
      %convert_element_type3A_97 = arith.extui %and3A_96 : i1 to i32
      %cond3A_98 = arith.constant 0 : i32
      %cond3A_99 = arith.cmpi ne, %convert_element_type3A_97, %cond3A_98 : i32
      scf.if %cond3A_99 {
        %dma_wait3A_142 = arith.constant 0 : i32
        %dma_wait3A_143 = arith.constant 0 : i32
        %dma_wait3A_144 = tpu.memref_slice %arg6[%dma_wait3A_142, %dma_wait3A_143] : memref<1536x64xf32, #tpu.memory_space<vmem>> -> memref<512x64xf32, #tpu.memory_space<vmem>>
        %dma_wait3A_145 = arith.constant 0 : i32
        %dma_wait3A_146 = arith.constant 0 : i32
        %dma_wait3A_147 = tpu.memref_slice %arg4[%dma_wait3A_145, %dma_wait3A_146] : memref<819200x64xf32, #tpu.memory_space<hbm>> -> memref<512x64xf32, #tpu.memory_space<hbm>>
        %dma_wait3A_148 = arith.constant 0 : i32
        %dma_wait3A_149 = arith.constant 0 : i32
        %dma_wait3A_150 = tpu.memref_slice %arg6[%dma_wait3A_148, %dma_wait3A_149] : memref<1536x64xf32, #tpu.memory_space<vmem>> -> memref<512x64xf32, #tpu.memory_space<vmem>>
        %dma_wait3A_151 = arith.constant 0 : i32
        %dma_wait3A_152 = arith.constant 0 : i32
        %dma_wait3A_153 = tpu.memref_slice %arg4[%dma_wait3A_151, %dma_wait3A_152] : memref<819200x64xf32, #tpu.memory_space<hbm>> -> memref<512x64xf32, #tpu.memory_space<hbm>>
        tpu.wait_dma2 semaphore(%arg10 : memref<!tpu.dma_semaphore, #tpu.memory_space<semaphore_mem>>) src(%dma_wait3A_153 : memref<512x64xf32, #tpu.memory_space<hbm>>) dst(%dma_wait3A_150 : memref<512x64xf32, #tpu.memory_space<vmem>>)
        %add3A_154 = arith.constant 2 : i32
        %add3A_155 = arith.addi %add3A_89, %add3A_154 : i32
        %mul3A_156 = arith.constant 1 : i32
        %mul3A_157 = arith.muli %add3A_155, %mul3A_156 : i32
        %add3A_158 = arith.constant 0 : i32
        %add3A_159 = arith.addi %mul3A_157, %add3A_158 : i32
        %dma_start3A_160 = arith.constant 0 : i32
        %dma_start3A_161 = arith.constant 0 : i32
        %dma_start3A_162 = tpu.memref_slice %arg6[%dma_start3A_160, %dma_start3A_161] : memref<1536x64xf32, #tpu.memory_space<vmem>> -> memref<512x64xf32, #tpu.memory_space<vmem>>
        %dma_start3A_163 = arith.constant 0 : i32
        %dma_start3A_164 = tpu.memref_slice %arg5[%add3A_159, %dma_start3A_163] : memref<50x512xi32, #tpu.memory_space<vmem>> -> memref<1x512xi32, #tpu.memory_space<vmem>>
        %dma_start3A_165 = tpu.memref_squeeze %dma_start3A_164 : memref<1x512xi32, #tpu.memory_space<vmem>> -> memref<512xi32, #tpu.memory_space<vmem>>
        %dma_start3A_166 = arith.constant 0 : i32
        %dma_start3A_167 = arith.constant 0 : i32
        %dma_start3A_168 = tpu.memref_slice %arg3[%dma_start3A_166, %dma_start3A_167] : memref<1000000x64xf32, #tpu.memory_space<hbm>> -> memref<1000000x64xf32, #tpu.memory_space<hbm>>
        tpu.enqueue_indirect_dma source(%dma_start3A_168 : memref<1000000x64xf32, #tpu.memory_space<hbm>>) target(%dma_start3A_162 : memref<512x64xf32, #tpu.memory_space<vmem>>) offsets(%dma_start3A_165 : memref<512xi32, #tpu.memory_space<vmem>>) semaphore(%arg7 : memref<!tpu.dma_semaphore, #tpu.memory_space<semaphore_mem>>)
      } else {
      }
      %add3A_100 = arith.constant 2 : i32
      %add3A_101 = arith.addi %add3A_89, %add3A_100 : i32
      %lt3A_102 = arith.constant 50 : i32
      %lt3A_103 = arith.cmpi slt, %add3A_101, %lt3A_102 : i32
      %lt3A_104 = arith.constant 1 : i32
      %lt3A_105 = arith.cmpi slt, %add3A_89, %lt3A_104 : i32
      %and3A_106 = arith.andi %lt3A_103, %lt3A_105 : i1
      %convert_element_type3A_107 = arith.extui %and3A_106 : i1 to i32
      %cond3A_108 = arith.constant 0 : i32
      %cond3A_109 = arith.cmpi ne, %convert_element_type3A_107, %cond3A_108 : i32
      scf.if %cond3A_109 {
        %add3A_142 = arith.constant 2 : i32
        %add3A_143 = arith.addi %add3A_89, %add3A_142 : i32
        %mul3A_144 = arith.constant 1 : i32
        %mul3A_145 = arith.muli %add3A_143, %mul3A_144 : i32
        %add3A_146 = arith.constant 0 : i32
        %add3A_147 = arith.addi %mul3A_145, %add3A_146 : i32
        %dma_start3A_148 = arith.constant 0 : i32
        %dma_start3A_149 = arith.constant 0 : i32
        %dma_start3A_150 = tpu.memref_slice %arg6[%dma_start3A_148, %dma_start3A_149] : memref<1536x64xf32, #tpu.memory_space<vmem>> -> memref<512x64xf32, #tpu.memory_space<vmem>>
        %dma_start3A_151 = arith.constant 0 : i32
        %dma_start3A_152 = tpu.memref_slice %arg5[%add3A_147, %dma_start3A_151] : memref<50x512xi32, #tpu.memory_space<vmem>> -> memref<1x512xi32, #tpu.memory_space<vmem>>
        %dma_start3A_153 = tpu.memref_squeeze %dma_start3A_152 : memref<1x512xi32, #tpu.memory_space<vmem>> -> memref<512xi32, #tpu.memory_space<vmem>>
        %dma_start3A_154 = arith.constant 0 : i32
        %dma_start3A_155 = arith.constant 0 : i32
        %dma_start3A_156 = tpu.memref_slice %arg3[%dma_start3A_154, %dma_start3A_155] : memref<1000000x64xf32, #tpu.memory_space<hbm>> -> memref<1000000x64xf32, #tpu.memory_space<hbm>>
        tpu.enqueue_indirect_dma source(%dma_start3A_156 : memref<1000000x64xf32, #tpu.memory_space<hbm>>) target(%dma_start3A_150 : memref<512x64xf32, #tpu.memory_space<vmem>>) offsets(%dma_start3A_153 : memref<512xi32, #tpu.memory_space<vmem>>) semaphore(%arg7 : memref<!tpu.dma_semaphore, #tpu.memory_space<semaphore_mem>>)
      } else {
      }
      %lt3A_110 = arith.constant 50 : i32
      %lt3A_111 = arith.cmpi slt, %add3A_89, %lt3A_110 : i32
      %convert_element_type3A_112 = arith.extui %lt3A_111 : i1 to i32
      %cond3A_113 = arith.constant 0 : i32
      %cond3A_114 = arith.cmpi ne, %convert_element_type3A_112, %cond3A_113 : i32
      scf.if %cond3A_114 {
        %dma_wait3A_142 = arith.constant 512 : i32
        %dma_wait3A_143 = arith.constant 0 : i32
        %dma_wait3A_144 = tpu.memref_slice %arg6[%dma_wait3A_142, %dma_wait3A_143] : memref<1536x64xf32, #tpu.memory_space<vmem>> -> memref<512x64xf32, #tpu.memory_space<vmem>>
        %dma_wait3A_145 = arith.constant 0 : i32
        %dma_wait3A_146 = arith.constant 0 : i32
        %dma_wait3A_147 = tpu.memref_slice %arg4[%dma_wait3A_145, %dma_wait3A_146] : memref<819200x64xf32, #tpu.memory_space<hbm>> -> memref<512x64xf32, #tpu.memory_space<hbm>>
        %dma_wait3A_148 = arith.constant 512 : i32
        %dma_wait3A_149 = arith.constant 0 : i32
        %dma_wait3A_150 = tpu.memref_slice %arg6[%dma_wait3A_148, %dma_wait3A_149] : memref<1536x64xf32, #tpu.memory_space<vmem>> -> memref<512x64xf32, #tpu.memory_space<vmem>>
        %dma_wait3A_151 = arith.constant 0 : i32
        %dma_wait3A_152 = arith.constant 0 : i32
        %dma_wait3A_153 = tpu.memref_slice %arg4[%dma_wait3A_151, %dma_wait3A_152] : memref<819200x64xf32, #tpu.memory_space<hbm>> -> memref<512x64xf32, #tpu.memory_space<hbm>>
        tpu.wait_dma2 semaphore(%arg8 : memref<!tpu.dma_semaphore, #tpu.memory_space<semaphore_mem>>) src(%dma_wait3A_153 : memref<512x64xf32, #tpu.memory_space<hbm>>) dst(%dma_wait3A_150 : memref<512x64xf32, #tpu.memory_space<vmem>>)
        %parallel_loop3A = arith.constant 0 : i32
        %parallel_loop3A_154 = arith.constant 512 : i32
        %parallel_loop3A_155 = arith.constant 1 : i32
        scf.for %parallel_loop3A_171 = %parallel_loop3A to %parallel_loop3A_154 step %parallel_loop3A_155  : i32 {
          %parallel_loop3A_172 = arith.constant 512 : i32
          %parallel_loop3A_173 = arith.addi %parallel_loop3A_172, %parallel_loop3A_171 : i32
          %parallel_loop3A_174 = arith.index_cast %parallel_loop3A_173 : i32 to index
          %parallel_loop3A_175 = arith.constant 0 : index
          %parallel_loop3A_176 = tpu.vector_load %arg6[%parallel_loop3A_174, %parallel_loop3A_175] {strides = array<i32>} : memref<1536x64xf32, #tpu.memory_space<vmem>>, vector<1x16xf32>,
          %parallel_loop3A_177 = vector.shape_cast %parallel_loop3A_176 : vector<1x16xf32> to vector<16xf32>
          %parallel_loop3A_178 = arith.constant 8.000000e+00 : f32
          %parallel_loop3A_179 = vector.broadcast %parallel_loop3A_178 : f32 to vector<16xf32>
          %parallel_loop3A_180 = arith.mulf %parallel_loop3A_177, %parallel_loop3A_179 : vector<16xf32>
          %parallel_loop3A_181 = arith.constant 512 : i32
          %parallel_loop3A_182 = arith.addi %parallel_loop3A_181, %parallel_loop3A_171 : i32
          %parallel_loop3A_183 = arith.index_cast %parallel_loop3A_182 : i32 to index
          %parallel_loop3A_184 = arith.constant 0 : index
          %parallel_loop3A_185 = tpu.vector_load %arg6[%parallel_loop3A_183, %parallel_loop3A_184] {strides = array<i32>} : memref<1536x64xf32, #tpu.memory_space<vmem>>, vector<1x16xf32>,
          %parallel_loop3A_186 = vector.shape_cast %parallel_loop3A_185 : vector<1x16xf32> to vector<16xf32>
          %parallel_loop3A_187 = vector.shape_cast %parallel_loop3A_180 : vector<16xf32> to vector<1x16xf32>
          tpu.vector_store %arg6[%parallel_loop3A_183, %parallel_loop3A_184], %parallel_loop3A_187 {strides = array<i32>} : memref<1536x64xf32, #tpu.memory_space<vmem>>, vector<1x16xf32>,
          %parallel_loop3A_188 = arith.constant 512 : i32
          %parallel_loop3A_189 = arith.addi %parallel_loop3A_188, %parallel_loop3A_171 : i32
          %parallel_loop3A_190 = arith.index_cast %parallel_loop3A_189 : i32 to index
          %parallel_loop3A_191 = arith.constant 16 : index
          %parallel_loop3A_192 = tpu.vector_load %arg6[%parallel_loop3A_190, %parallel_loop3A_191] {strides = array<i32>} : memref<1536x64xf32, #tpu.memory_space<vmem>>, vector<1x16xf32>,
          %parallel_loop3A_193 = vector.shape_cast %parallel_loop3A_192 : vector<1x16xf32> to vector<16xf32>
          %parallel_loop3A_194 = arith.constant 8.000000e+00 : f32
          %parallel_loop3A_195 = vector.broadcast %parallel_loop3A_194 : f32 to vector<16xf32>
          %parallel_loop3A_196 = arith.mulf %parallel_loop3A_193, %parallel_loop3A_195 : vector<16xf32>
          %parallel_loop3A_197 = arith.constant 512 : i32
          %parallel_loop3A_198 = arith.addi %parallel_loop3A_197, %parallel_loop3A_171 : i32
          %parallel_loop3A_199 = arith.index_cast %parallel_loop3A_198 : i32 to index
          %parallel_loop3A_200 = arith.constant 16 : index
          %parallel_loop3A_201 = tpu.vector_load %arg6[%parallel_loop3A_199, %parallel_loop3A_200] {strides = array<i32>} : memref<1536x64xf32, #tpu.memory_space<vmem>>, vector<1x16xf32>,
          %parallel_loop3A_202 = vector.shape_cast %parallel_loop3A_201 : vector<1x16xf32> to vector<16xf32>
          %parallel_loop3A_203 = vector.shape_cast %parallel_loop3A_196 : vector<16xf32> to vector<1x16xf32>
          tpu.vector_store %arg6[%parallel_loop3A_199, %parallel_loop3A_200], %parallel_loop3A_203 {strides = array<i32>} : memref<1536x64xf32, #tpu.memory_space<vmem>>, vector<1x16xf32>,
          %parallel_loop3A_204 = arith.constant 512 : i32
          %parallel_loop3A_205 = arith.addi %parallel_loop3A_204, %parallel_loop3A_171 : i32
          %parallel_loop3A_206 = arith.index_cast %parallel_loop3A_205 : i32 to index
          %parallel_loop3A_207 = arith.constant 32 : index
          %parallel_loop3A_208 = tpu.vector_load %arg6[%parallel_loop3A_206, %parallel_loop3A_207] {strides = array<i32>} : memref<1536x64xf32, #tpu.memory_space<vmem>>, vector<1x16xf32>,
          %parallel_loop3A_209 = vector.shape_cast %parallel_loop3A_208 : vector<1x16xf32> to vector<16xf32>
          %parallel_loop3A_210 = arith.constant 8.000000e+00 : f32
          %parallel_loop3A_211 = vector.broadcast %parallel_loop3A_210 : f32 to vector<16xf32>
          %parallel_loop3A_212 = arith.mulf %parallel_loop3A_209, %parallel_loop3A_211 : vector<16xf32>
          %parallel_loop3A_213 = arith.constant 512 : i32
          %parallel_loop3A_214 = arith.addi %parallel_loop3A_213, %parallel_loop3A_171 : i32
          %parallel_loop3A_215 = arith.index_cast %parallel_loop3A_214 : i32 to index
          %parallel_loop3A_216 = arith.constant 32 : index
          %parallel_loop3A_217 = tpu.vector_load %arg6[%parallel_loop3A_215, %parallel_loop3A_216] {strides = array<i32>} : memref<1536x64xf32, #tpu.memory_space<vmem>>, vector<1x16xf32>,
          %parallel_loop3A_218 = vector.shape_cast %parallel_loop3A_217 : vector<1x16xf32> to vector<16xf32>
          %parallel_loop3A_219 = vector.shape_cast %parallel_loop3A_212 : vector<16xf32> to vector<1x16xf32>
          tpu.vector_store %arg6[%parallel_loop3A_215, %parallel_loop3A_216], %parallel_loop3A_219 {strides = array<i32>} : memref<1536x64xf32, #tpu.memory_space<vmem>>, vector<1x16xf32>,
          %parallel_loop3A_220 = arith.constant 512 : i32
          %parallel_loop3A_221 = arith.addi %parallel_loop3A_220, %parallel_loop3A_171 : i32
          %parallel_loop3A_222 = arith.index_cast %parallel_loop3A_221 : i32 to index
          %parallel_loop3A_223 = arith.constant 48 : index
          %parallel_loop3A_224 = tpu.vector_load %arg6[%parallel_loop3A_222, %parallel_loop3A_223] {strides = array<i32>} : memref<1536x64xf32, #tpu.memory_space<vmem>>, vector<1x16xf32>,
          %parallel_loop3A_225 = vector.shape_cast %parallel_loop3A_224 : vector<1x16xf32> to vector<16xf32>
          %parallel_loop3A_226 = arith.constant 8.000000e+00 : f32
          %parallel_loop3A_227 = vector.broadcast %parallel_loop3A_226 : f32 to vector<16xf32>
          %parallel_loop3A_228 = arith.mulf %parallel_loop3A_225, %parallel_loop3A_227 : vector<16xf32>
          %parallel_loop3A_229 = arith.constant 512 : i32
          %parallel_loop3A_230 = arith.addi %parallel_loop3A_229, %parallel_loop3A_171 : i32
          %parallel_loop3A_231 = arith.index_cast %parallel_loop3A_230 : i32 to index
          %parallel_loop3A_232 = arith.constant 48 : index
          %parallel_loop3A_233 = tpu.vector_load %arg6[%parallel_loop3A_231, %parallel_loop3A_232] {strides = array<i32>} : memref<1536x64xf32, #tpu.memory_space<vmem>>, vector<1x16xf32>,
          %parallel_loop3A_234 = vector.shape_cast %parallel_loop3A_233 : vector<1x16xf32> to vector<16xf32>
          %parallel_loop3A_235 = vector.shape_cast %parallel_loop3A_228 : vector<16xf32> to vector<1x16xf32>
          tpu.vector_store %arg6[%parallel_loop3A_231, %parallel_loop3A_232], %parallel_loop3A_235 {strides = array<i32>} : memref<1536x64xf32, #tpu.memory_space<vmem>>, vector<1x16xf32>,
        } {sc.loop_unroll_factor = 8 : i64, sc.parallel_access}
        %mul3A_156 = arith.constant 1 : i32
        %mul3A_157 = arith.muli %add3A_89, %mul3A_156 : i32
        %add3A_158 = arith.addi %mul3A_2, %mul3A_157 : i32
        %mul3A_159 = arith.constant 512 : i32
        %mul3A_160 = arith.muli %add3A_158, %mul3A_159 : i32
        %dma_start3A_161 = arith.constant 512 : i32
        %dma_start3A_162 = arith.constant 0 : i32
        %dma_start3A_163 = tpu.memref_slice %arg6[%dma_start3A_161, %dma_start3A_162] : memref<1536x64xf32, #tpu.memory_space<vmem>> -> memref<512x64xf32, #tpu.memory_space<vmem>>
        %dma_start3A_164 = arith.constant 0 : i32
        %dma_start3A_165 = tpu.memref_slice %arg4[%mul3A_160, %dma_start3A_164] : memref<819200x64xf32, #tpu.memory_space<hbm>> -> memref<512x64xf32, #tpu.memory_space<hbm>>
        %dma_start3A_166 = arith.constant 0 : i32
        %dma_start3A_167 = tpu.memref_slice %arg4[%mul3A_160, %dma_start3A_166] : memref<819200x64xf32, #tpu.memory_space<hbm>> -> memref<512x64xf32, #tpu.memory_space<hbm>>
        %dma_start3A_168 = arith.constant 512 : i32
        %dma_start3A_169 = arith.constant 0 : i32
        %dma_start3A_170 = tpu.memref_slice %arg6[%dma_start3A_168, %dma_start3A_169] : memref<1536x64xf32, #tpu.memory_space<vmem>> -> memref<512x64xf32, #tpu.memory_space<vmem>>
        tpu.enqueue_dma source(%dma_start3A_170 : memref<512x64xf32, #tpu.memory_space<vmem>>) target(%dma_start3A_167 : memref<512x64xf32, #tpu.memory_space<hbm>>) target_semaphore(%arg11 : memref<!tpu.dma_semaphore, #tpu.memory_space<semaphore_mem>>)
      } else {
      }
      %add3A_115 = arith.constant 2 : i32
      %add3A_116 = arith.addi %add3A_65, %add3A_115 : i32
      %add3A_117 = arith.constant 2 : i32
      %add3A_118 = arith.addi %add3A_116, %add3A_117 : i32
      %lt3A_119 = arith.constant 50 : i32
      %lt3A_120 = arith.cmpi slt, %add3A_118, %lt3A_119 : i32
      %ge3A_121 = arith.constant 1 : i32
      %ge3A_122 = arith.cmpi sge, %add3A_116, %ge3A_121 : i32
      %and3A_123 = arith.andi %lt3A_120, %ge3A_122 : i1
      %convert_element_type3A_124 = arith.extui %and3A_123 : i1 to i32
      %cond3A_125 = arith.constant 0 : i32
      %cond3A_126 = arith.cmpi ne, %convert_element_type3A_124, %cond3A_125 : i32
      scf.if %cond3A_126 {
        %dma_wait3A_142 = arith.constant 512 : i32
        %dma_wait3A_143 = arith.constant 0 : i32
        %dma_wait3A_144 = tpu.memref_slice %arg6[%dma_wait3A_142, %dma_wait3A_143] : memref<1536x64xf32, #tpu.memory_space<vmem>> -> memref<512x64xf32, #tpu.memory_space<vmem>>
        %dma_wait3A_145 = arith.constant 0 : i32
        %dma_wait3A_146 = arith.constant 0 : i32
        %dma_wait3A_147 = tpu.memref_slice %arg4[%dma_wait3A_145, %dma_wait3A_146] : memref<819200x64xf32, #tpu.memory_space<hbm>> -> memref<512x64xf32, #tpu.memory_space<hbm>>
        %dma_wait3A_148 = arith.constant 512 : i32
        %dma_wait3A_149 = arith.constant 0 : i32
        %dma_wait3A_150 = tpu.memref_slice %arg6[%dma_wait3A_148, %dma_wait3A_149] : memref<1536x64xf32, #tpu.memory_space<vmem>> -> memref<512x64xf32, #tpu.memory_space<vmem>>
        %dma_wait3A_151 = arith.constant 0 : i32
        %dma_wait3A_152 = arith.constant 0 : i32
        %dma_wait3A_153 = tpu.memref_slice %arg4[%dma_wait3A_151, %dma_wait3A_152] : memref<819200x64xf32, #tpu.memory_space<hbm>> -> memref<512x64xf32, #tpu.memory_space<hbm>>
        tpu.wait_dma2 semaphore(%arg11 : memref<!tpu.dma_semaphore, #tpu.memory_space<semaphore_mem>>) src(%dma_wait3A_153 : memref<512x64xf32, #tpu.memory_space<hbm>>) dst(%dma_wait3A_150 : memref<512x64xf32, #tpu.memory_space<vmem>>)
        %add3A_154 = arith.constant 2 : i32
        %add3A_155 = arith.addi %add3A_116, %add3A_154 : i32
        %mul3A_156 = arith.constant 1 : i32
        %mul3A_157 = arith.muli %add3A_155, %mul3A_156 : i32
        %add3A_158 = arith.constant 0 : i32
        %add3A_159 = arith.addi %mul3A_157, %add3A_158 : i32
        %dma_start3A_160 = arith.constant 512 : i32
        %dma_start3A_161 = arith.constant 0 : i32
        %dma_start3A_162 = tpu.memref_slice %arg6[%dma_start3A_160, %dma_start3A_161] : memref<1536x64xf32, #tpu.memory_space<vmem>> -> memref<512x64xf32, #tpu.memory_space<vmem>>
        %dma_start3A_163 = arith.constant 0 : i32
        %dma_start3A_164 = tpu.memref_slice %arg5[%add3A_159, %dma_start3A_163] : memref<50x512xi32, #tpu.memory_space<vmem>> -> memref<1x512xi32, #tpu.memory_space<vmem>>
        %dma_start3A_165 = tpu.memref_squeeze %dma_start3A_164 : memref<1x512xi32, #tpu.memory_space<vmem>> -> memref<512xi32, #tpu.memory_space<vmem>>
        %dma_start3A_166 = arith.constant 0 : i32
        %dma_start3A_167 = arith.constant 0 : i32
        %dma_start3A_168 = tpu.memref_slice %arg3[%dma_start3A_166, %dma_start3A_167] : memref<1000000x64xf32, #tpu.memory_space<hbm>> -> memref<1000000x64xf32, #tpu.memory_space<hbm>>
        tpu.enqueue_indirect_dma source(%dma_start3A_168 : memref<1000000x64xf32, #tpu.memory_space<hbm>>) target(%dma_start3A_162 : memref<512x64xf32, #tpu.memory_space<vmem>>) offsets(%dma_start3A_165 : memref<512xi32, #tpu.memory_space<vmem>>) semaphore(%arg8 : memref<!tpu.dma_semaphore, #tpu.memory_space<semaphore_mem>>)
      } else {
      }
      %add3A_127 = arith.constant 2 : i32
      %add3A_128 = arith.addi %add3A_116, %add3A_127 : i32
      %lt3A_129 = arith.constant 50 : i32
      %lt3A_130 = arith.cmpi slt, %add3A_128, %lt3A_129 : i32
      %lt3A_131 = arith.constant 1 : i32
      %lt3A_132 = arith.cmpi slt, %add3A_116, %lt3A_131 : i32
      %and3A_133 = arith.andi %lt3A_130, %lt3A_132 : i1
      %convert_element_type3A_134 = arith.extui %and3A_133 : i1 to i32
      %cond3A_135 = arith.constant 0 : i32
      %cond3A_136 = arith.cmpi ne, %convert_element_type3A_134, %cond3A_135 : i32
      scf.if %cond3A_136 {
        %add3A_142 = arith.constant 2 : i32
        %add3A_143 = arith.addi %add3A_116, %add3A_142 : i32
        %mul3A_144 = arith.constant 1 : i32
        %mul3A_145 = arith.muli %add3A_143, %mul3A_144 : i32
        %add3A_146 = arith.constant 0 : i32
        %add3A_147 = arith.addi %mul3A_145, %add3A_146 : i32
        %dma_start3A_148 = arith.constant 512 : i32
        %dma_start3A_149 = arith.constant 0 : i32
        %dma_start3A_150 = tpu.memref_slice %arg6[%dma_start3A_148, %dma_start3A_149] : memref<1536x64xf32, #tpu.memory_space<vmem>> -> memref<512x64xf32, #tpu.memory_space<vmem>>
        %dma_start3A_151 = arith.constant 0 : i32
        %dma_start3A_152 = tpu.memref_slice %arg5[%add3A_147, %dma_start3A_151] : memref<50x512xi32, #tpu.memory_space<vmem>> -> memref<1x512xi32, #tpu.memory_space<vmem>>
        %dma_start3A_153 = tpu.memref_squeeze %dma_start3A_152 : memref<1x512xi32, #tpu.memory_space<vmem>> -> memref<512xi32, #tpu.memory_space<vmem>>
        %dma_start3A_154 = arith.constant 0 : i32
        %dma_start3A_155 = arith.constant 0 : i32
        %dma_start3A_156 = tpu.memref_slice %arg3[%dma_start3A_154, %dma_start3A_155] : memref<1000000x64xf32, #tpu.memory_space<hbm>> -> memref<1000000x64xf32, #tpu.memory_space<hbm>>
        tpu.enqueue_indirect_dma source(%dma_start3A_156 : memref<1000000x64xf32, #tpu.memory_space<hbm>>) target(%dma_start3A_150 : memref<512x64xf32, #tpu.memory_space<vmem>>) offsets(%dma_start3A_153 : memref<512xi32, #tpu.memory_space<vmem>>) semaphore(%arg8 : memref<!tpu.dma_semaphore, #tpu.memory_space<semaphore_mem>>)
      } else {
      }
      %lt3A_137 = arith.constant 50 : i32
      %lt3A_138 = arith.cmpi slt, %add3A_116, %lt3A_137 : i32
      %convert_element_type3A_139 = arith.extui %lt3A_138 : i1 to i32
      %cond3A_140 = arith.constant 0 : i32
      %cond3A_141 = arith.cmpi ne, %convert_element_type3A_139, %cond3A_140 : i32
      scf.if %cond3A_141 {
        %dma_wait3A_142 = arith.constant 1024 : i32
        %dma_wait3A_143 = arith.constant 0 : i32
        %dma_wait3A_144 = tpu.memref_slice %arg6[%dma_wait3A_142, %dma_wait3A_143] : memref<1536x64xf32, #tpu.memory_space<vmem>> -> memref<512x64xf32, #tpu.memory_space<vmem>>
        %dma_wait3A_145 = arith.constant 0 : i32
        %dma_wait3A_146 = arith.constant 0 : i32
        %dma_wait3A_147 = tpu.memref_slice %arg4[%dma_wait3A_145, %dma_wait3A_146] : memref<819200x64xf32, #tpu.memory_space<hbm>> -> memref<512x64xf32, #tpu.memory_space<hbm>>
        %dma_wait3A_148 = arith.constant 1024 : i32
        %dma_wait3A_149 = arith.constant 0 : i32
        %dma_wait3A_150 = tpu.memref_slice %arg6[%dma_wait3A_148, %dma_wait3A_149] : memref<1536x64xf32, #tpu.memory_space<vmem>> -> memref<512x64xf32, #tpu.memory_space<vmem>>
        %dma_wait3A_151 = arith.constant 0 : i32
        %dma_wait3A_152 = arith.constant 0 : i32
        %dma_wait3A_153 = tpu.memref_slice %arg4[%dma_wait3A_151, %dma_wait3A_152] : memref<819200x64xf32, #tpu.memory_space<hbm>> -> memref<512x64xf32, #tpu.memory_space<hbm>>
        tpu.wait_dma2 semaphore(%arg9 : memref<!tpu.dma_semaphore, #tpu.memory_space<semaphore_mem>>) src(%dma_wait3A_153 : memref<512x64xf32, #tpu.memory_space<hbm>>) dst(%dma_wait3A_150 : memref<512x64xf32, #tpu.memory_space<vmem>>)
        %parallel_loop3A = arith.constant 0 : i32
        %parallel_loop3A_154 = arith.constant 512 : i32
        %parallel_loop3A_155 = arith.constant 1 : i32
        scf.for %parallel_loop3A_171 = %parallel_loop3A to %parallel_loop3A_154 step %parallel_loop3A_155  : i32 {
          %parallel_loop3A_172 = arith.constant 1024 : i32
          %parallel_loop3A_173 = arith.addi %parallel_loop3A_172, %parallel_loop3A_171 : i32
          %parallel_loop3A_174 = arith.index_cast %parallel_loop3A_173 : i32 to index
          %parallel_loop3A_175 = arith.constant 0 : index
          %parallel_loop3A_176 = tpu.vector_load %arg6[%parallel_loop3A_174, %parallel_loop3A_175] {strides = array<i32>} : memref<1536x64xf32, #tpu.memory_space<vmem>>, vector<1x16xf32>,
          %parallel_loop3A_177 = vector.shape_cast %parallel_loop3A_176 : vector<1x16xf32> to vector<16xf32>
          %parallel_loop3A_178 = arith.constant 8.000000e+00 : f32
          %parallel_loop3A_179 = vector.broadcast %parallel_loop3A_178 : f32 to vector<16xf32>
          %parallel_loop3A_180 = arith.mulf %parallel_loop3A_177, %parallel_loop3A_179 : vector<16xf32>
          %parallel_loop3A_181 = arith.constant 1024 : i32
          %parallel_loop3A_182 = arith.addi %parallel_loop3A_181, %parallel_loop3A_171 : i32
          %parallel_loop3A_183 = arith.index_cast %parallel_loop3A_182 : i32 to index
          %parallel_loop3A_184 = arith.constant 0 : index
          %parallel_loop3A_185 = tpu.vector_load %arg6[%parallel_loop3A_183, %parallel_loop3A_184] {strides = array<i32>} : memref<1536x64xf32, #tpu.memory_space<vmem>>, vector<1x16xf32>,
          %parallel_loop3A_186 = vector.shape_cast %parallel_loop3A_185 : vector<1x16xf32> to vector<16xf32>
          %parallel_loop3A_187 = vector.shape_cast %parallel_loop3A_180 : vector<16xf32> to vector<1x16xf32>
          tpu.vector_store %arg6[%parallel_loop3A_183, %parallel_loop3A_184], %parallel_loop3A_187 {strides = array<i32>} : memref<1536x64xf32, #tpu.memory_space<vmem>>, vector<1x16xf32>,
          %parallel_loop3A_188 = arith.constant 1024 : i32
          %parallel_loop3A_189 = arith.addi %parallel_loop3A_188, %parallel_loop3A_171 : i32
          %parallel_loop3A_190 = arith.index_cast %parallel_loop3A_189 : i32 to index
          %parallel_loop3A_191 = arith.constant 16 : index
          %parallel_loop3A_192 = tpu.vector_load %arg6[%parallel_loop3A_190, %parallel_loop3A_191] {strides = array<i32>} : memref<1536x64xf32, #tpu.memory_space<vmem>>, vector<1x16xf32>,
          %parallel_loop3A_193 = vector.shape_cast %parallel_loop3A_192 : vector<1x16xf32> to vector<16xf32>
          %parallel_loop3A_194 = arith.constant 8.000000e+00 : f32
          %parallel_loop3A_195 = vector.broadcast %parallel_loop3A_194 : f32 to vector<16xf32>
          %parallel_loop3A_196 = arith.mulf %parallel_loop3A_193, %parallel_loop3A_195 : vector<16xf32>
          %parallel_loop3A_197 = arith.constant 1024 : i32
          %parallel_loop3A_198 = arith.addi %parallel_loop3A_197, %parallel_loop3A_171 : i32
          %parallel_loop3A_199 = arith.index_cast %parallel_loop3A_198 : i32 to index
          %parallel_loop3A_200 = arith.constant 16 : index
          %parallel_loop3A_201 = tpu.vector_load %arg6[%parallel_loop3A_199, %parallel_loop3A_200] {strides = array<i32>} : memref<1536x64xf32, #tpu.memory_space<vmem>>, vector<1x16xf32>,
          %parallel_loop3A_202 = vector.shape_cast %parallel_loop3A_201 : vector<1x16xf32> to vector<16xf32>
          %parallel_loop3A_203 = vector.shape_cast %parallel_loop3A_196 : vector<16xf32> to vector<1x16xf32>
          tpu.vector_store %arg6[%parallel_loop3A_199, %parallel_loop3A_200], %parallel_loop3A_203 {strides = array<i32>} : memref<1536x64xf32, #tpu.memory_space<vmem>>, vector<1x16xf32>,
          %parallel_loop3A_204 = arith.constant 1024 : i32
          %parallel_loop3A_205 = arith.addi %parallel_loop3A_204, %parallel_loop3A_171 : i32
          %parallel_loop3A_206 = arith.index_cast %parallel_loop3A_205 : i32 to index
          %parallel_loop3A_207 = arith.constant 32 : index
          %parallel_loop3A_208 = tpu.vector_load %arg6[%parallel_loop3A_206, %parallel_loop3A_207] {strides = array<i32>} : memref<1536x64xf32, #tpu.memory_space<vmem>>, vector<1x16xf32>,
          %parallel_loop3A_209 = vector.shape_cast %parallel_loop3A_208 : vector<1x16xf32> to vector<16xf32>
          %parallel_loop3A_210 = arith.constant 8.000000e+00 : f32
          %parallel_loop3A_211 = vector.broadcast %parallel_loop3A_210 : f32 to vector<16xf32>
          %parallel_loop3A_212 = arith.mulf %parallel_loop3A_209, %parallel_loop3A_211 : vector<16xf32>
          %parallel_loop3A_213 = arith.constant 1024 : i32
          %parallel_loop3A_214 = arith.addi %parallel_loop3A_213, %parallel_loop3A_171 : i32
          %parallel_loop3A_215 = arith.index_cast %parallel_loop3A_214 : i32 to index
          %parallel_loop3A_216 = arith.constant 32 : index
          %parallel_loop3A_217 = tpu.vector_load %arg6[%parallel_loop3A_215, %parallel_loop3A_216] {strides = array<i32>} : memref<1536x64xf32, #tpu.memory_space<vmem>>, vector<1x16xf32>,
          %parallel_loop3A_218 = vector.shape_cast %parallel_loop3A_217 : vector<1x16xf32> to vector<16xf32>
          %parallel_loop3A_219 = vector.shape_cast %parallel_loop3A_212 : vector<16xf32> to vector<1x16xf32>
          tpu.vector_store %arg6[%parallel_loop3A_215, %parallel_loop3A_216], %parallel_loop3A_219 {strides = array<i32>} : memref<1536x64xf32, #tpu.memory_space<vmem>>, vector<1x16xf32>,
          %parallel_loop3A_220 = arith.constant 1024 : i32
          %parallel_loop3A_221 = arith.addi %parallel_loop3A_220, %parallel_loop3A_171 : i32
          %parallel_loop3A_222 = arith.index_cast %parallel_loop3A_221 : i32 to index
          %parallel_loop3A_223 = arith.constant 48 : index
          %parallel_loop3A_224 = tpu.vector_load %arg6[%parallel_loop3A_222, %parallel_loop3A_223] {strides = array<i32>} : memref<1536x64xf32, #tpu.memory_space<vmem>>, vector<1x16xf32>,
          %parallel_loop3A_225 = vector.shape_cast %parallel_loop3A_224 : vector<1x16xf32> to vector<16xf32>
          %parallel_loop3A_226 = arith.constant 8.000000e+00 : f32
          %parallel_loop3A_227 = vector.broadcast %parallel_loop3A_226 : f32 to vector<16xf32>
          %parallel_loop3A_228 = arith.mulf %parallel_loop3A_225, %parallel_loop3A_227 : vector<16xf32>
          %parallel_loop3A_229 = arith.constant 1024 : i32
          %parallel_loop3A_230 = arith.addi %parallel_loop3A_229, %parallel_loop3A_171 : i32
          %parallel_loop3A_231 = arith.index_cast %parallel_loop3A_230 : i32 to index
          %parallel_loop3A_232 = arith.constant 48 : index
          %parallel_loop3A_233 = tpu.vector_load %arg6[%parallel_loop3A_231, %parallel_loop3A_232] {strides = array<i32>} : memref<1536x64xf32, #tpu.memory_space<vmem>>, vector<1x16xf32>,
          %parallel_loop3A_234 = vector.shape_cast %parallel_loop3A_233 : vector<1x16xf32> to vector<16xf32>
          %parallel_loop3A_235 = vector.shape_cast %parallel_loop3A_228 : vector<16xf32> to vector<1x16xf32>
          tpu.vector_store %arg6[%parallel_loop3A_231, %parallel_loop3A_232], %parallel_loop3A_235 {strides = array<i32>} : memref<1536x64xf32, #tpu.memory_space<vmem>>, vector<1x16xf32>,
        } {sc.loop_unroll_factor = 8 : i64, sc.parallel_access}
        %mul3A_156 = arith.constant 1 : i32
        %mul3A_157 = arith.muli %add3A_116, %mul3A_156 : i32
        %add3A_158 = arith.addi %mul3A_2, %mul3A_157 : i32
        %mul3A_159 = arith.constant 512 : i32
        %mul3A_160 = arith.muli %add3A_158, %mul3A_159 : i32
        %dma_start3A_161 = arith.constant 1024 : i32
        %dma_start3A_162 = arith.constant 0 : i32
        %dma_start3A_163 = tpu.memref_slice %arg6[%dma_start3A_161, %dma_start3A_162] : memref<1536x64xf32, #tpu.memory_space<vmem>> -> memref<512x64xf32, #tpu.memory_space<vmem>>
        %dma_start3A_164 = arith.constant 0 : i32
        %dma_start3A_165 = tpu.memref_slice %arg4[%mul3A_160, %dma_start3A_164] : memref<819200x64xf32, #tpu.memory_space<hbm>> -> memref<512x64xf32, #tpu.memory_space<hbm>>
        %dma_start3A_166 = arith.constant 0 : i32
        %dma_start3A_167 = tpu.memref_slice %arg4[%mul3A_160, %dma_start3A_166] : memref<819200x64xf32, #tpu.memory_space<hbm>> -> memref<512x64xf32, #tpu.memory_space<hbm>>
        %dma_start3A_168 = arith.constant 1024 : i32
        %dma_start3A_169 = arith.constant 0 : i32
        %dma_start3A_170 = tpu.memref_slice %arg6[%dma_start3A_168, %dma_start3A_169] : memref<1536x64xf32, #tpu.memory_space<vmem>> -> memref<512x64xf32, #tpu.memory_space<vmem>>
        tpu.enqueue_dma source(%dma_start3A_170 : memref<512x64xf32, #tpu.memory_space<vmem>>) target(%dma_start3A_167 : memref<512x64xf32, #tpu.memory_space<hbm>>) target_semaphore(%arg12 : memref<!tpu.dma_semaphore, #tpu.memory_space<semaphore_mem>>)
      } else {
      }
    }
    %scan3A_25 = arith.constant 17 : i32
    %dma_wait3A = arith.constant 0 : i32
    %dma_wait3A_26 = arith.constant 0 : i32
    %dma_wait3A_27 = tpu.memref_slice %arg6[%dma_wait3A, %dma_wait3A_26] : memref<1536x64xf32, #tpu.memory_space<vmem>> -> memref<512x64xf32, #tpu.memory_space<vmem>>
    %dma_wait3A_28 = arith.constant 0 : i32
    %dma_wait3A_29 = arith.constant 0 : i32
    %dma_wait3A_30 = tpu.memref_slice %arg4[%dma_wait3A_28, %dma_wait3A_29] : memref<819200x64xf32, #tpu.memory_space<hbm>> -> memref<512x64xf32, #tpu.memory_space<hbm>>
    %dma_wait3A_31 = arith.constant 0 : i32
    %dma_wait3A_32 = arith.constant 0 : i32
    %dma_wait3A_33 = tpu.memref_slice %arg6[%dma_wait3A_31, %dma_wait3A_32] : memref<1536x64xf32, #tpu.memory_space<vmem>> -> memref<512x64xf32, #tpu.memory_space<vmem>>
    %dma_wait3A_34 = arith.constant 0 : i32
    %dma_wait3A_35 = arith.constant 0 : i32
    %dma_wait3A_36 = tpu.memref_slice %arg4[%dma_wait3A_34, %dma_wait3A_35] : memref<819200x64xf32, #tpu.memory_space<hbm>> -> memref<512x64xf32, #tpu.memory_space<hbm>>
    tpu.wait_dma2 semaphore(%arg10 : memref<!tpu.dma_semaphore, #tpu.memory_space<semaphore_mem>>) src(%dma_wait3A_36 : memref<512x64xf32, #tpu.memory_space<hbm>>) dst(%dma_wait3A_33 : memref<512x64xf32, #tpu.memory_space<vmem>>)
    %dma_wait3A_37 = arith.constant 512 : i32
    %dma_wait3A_38 = arith.constant 0 : i32
    %dma_wait3A_39 = tpu.memref_slice %arg6[%dma_wait3A_37, %dma_wait3A_38] : memref<1536x64xf32, #tpu.memory_space<vmem>> -> memref<512x64xf32, #tpu.memory_space<vmem>>
    %dma_wait3A_40 = arith.constant 0 : i32
    %dma_wait3A_41 = arith.constant 0 : i32
    %dma_wait3A_42 = tpu.memref_slice %arg4[%dma_wait3A_40, %dma_wait3A_41] : memref<819200x64xf32, #tpu.memory_space<hbm>> -> memref<512x64xf32, #tpu.memory_space<hbm>>
    %dma_wait3A_43 = arith.constant 512 : i32
    %dma_wait3A_44 = arith.constant 0 : i32
    %dma_wait3A_45 = tpu.memref_slice %arg6[%dma_wait3A_43, %dma_wait3A_44] : memref<1536x64xf32, #tpu.memory_space<vmem>> -> memref<512x64xf32, #tpu.memory_space<vmem>>
    %dma_wait3A_46 = arith.constant 0 : i32
    %dma_wait3A_47 = arith.constant 0 : i32
    %dma_wait3A_48 = tpu.memref_slice %arg4[%dma_wait3A_46, %dma_wait3A_47] : memref<819200x64xf32, #tpu.memory_space<hbm>> -> memref<512x64xf32, #tpu.memory_space<hbm>>
    tpu.wait_dma2 semaphore(%arg11 : memref<!tpu.dma_semaphore, #tpu.memory_space<semaphore_mem>>) src(%dma_wait3A_48 : memref<512x64xf32, #tpu.memory_space<hbm>>) dst(%dma_wait3A_45 : memref<512x64xf32, #tpu.memory_space<vmem>>)
    %dma_wait3A_49 = arith.constant 1024 : i32
    %dma_wait3A_50 = arith.constant 0 : i32
    %dma_wait3A_51 = tpu.memref_slice %arg6[%dma_wait3A_49, %dma_wait3A_50] : memref<1536x64xf32, #tpu.memory_space<vmem>> -> memref<512x64xf32, #tpu.memory_space<vmem>>
    %dma_wait3A_52 = arith.constant 0 : i32
    %dma_wait3A_53 = arith.constant 0 : i32
    %dma_wait3A_54 = tpu.memref_slice %arg4[%dma_wait3A_52, %dma_wait3A_53] : memref<819200x64xf32, #tpu.memory_space<hbm>> -> memref<512x64xf32, #tpu.memory_space<hbm>>
    %dma_wait3A_55 = arith.constant 1024 : i32
    %dma_wait3A_56 = arith.constant 0 : i32
    %dma_wait3A_57 = tpu.memref_slice %arg6[%dma_wait3A_55, %dma_wait3A_56] : memref<1536x64xf32, #tpu.memory_space<vmem>> -> memref<512x64xf32, #tpu.memory_space<vmem>>
    %dma_wait3A_58 = arith.constant 0 : i32
    %dma_wait3A_59 = arith.constant 0 : i32
    %dma_wait3A_60 = tpu.memref_slice %arg4[%dma_wait3A_58, %dma_wait3A_59] : memref<819200x64xf32, #tpu.memory_space<hbm>> -> memref<512x64xf32, #tpu.memory_space<hbm>>
    tpu.wait_dma2 semaphore(%arg12 : memref<!tpu.dma_semaphore, #tpu.memory_space<semaphore_mem>>) src(%dma_wait3A_60 : memref<512x64xf32, #tpu.memory_space<hbm>>) dst(%dma_wait3A_57 : memref<512x64xf32, #tpu.memory_space<vmem>>)
    return
  }
}

</mosaic_0001>

<sc_bundles>
// kernel: kernel.3.cloned.1.call-start
scs
__scs_entry_jumppad:
0x0: {  	(pc) =	sbr.rel $0x88, $3  }
0x1: {  	(tag) =	ssettag $0x0;
	lr =	simm.s32 $0x1  }
0x2: {  	[smem:$0x3F9F] =	sst lr;
	_ =	strace $0xD0000000  }
0x3: {  	_ = 	snop  }
0x4: {  	_ = 	snop  }
0x5: {  	_ = 	snop  }
0x6: {  	_ = 	snop  }
0x7: {  	_ = 	snop  }
__scs_overlays_trampoline_lowered:
0x8: {  	[smem:$0x3FAE] =	sst s0  }
0x9: {  	[smem:$0x3FAF] =	sst s1  }
0xa: {  	[smem:$0x3FB0] =	sst s2  }
0xb: {  	[smem:$0x3FB1] =	sst s3  }
0xc: {  	[smem:$0x3FB2] =	sst s4  }
0xd: {  	[smem:$0x3FB3] =	sst s5  }
0xe: {  	[smem:$0x3FB4] =	sst s6  }
0xf: {  	[smem:$0x3FB5] =	sst s7  }
0x10: {  	[smem:$0x3FB6] =	sst s8  }
0x11: {  	[smem:$0x3FB7] =	sst s9;
	s0 =	simm.s32 @!p0 $0x0  }
0x12: {  	s1 =	sld [smem:$0x3F9D];
	s0 =	simm.s32 @p0 $0x1  }
0x13: {  	[smem:$0x3FB8] =	sst s0;
	s0 =	simm.s32 @!p1 $0x0  }
0x14: {  	s2 =	sld [smem:$0x3F9C];
	s0 =	simm.s32 @p1 $0x1  }
0x15: {  	[smem:$0x3FB9] =	sst s0;
	s0 =	simm.s32 @!p2 $0x0  }
0x16: {  	s3 =	sld [smem:$0x3FDB];
	s0 =	simm.s32 @p2 $0x1  }
0x17: {  	s4 =	simm.s32 $0x1BF5;
	[smem:$0x3FBB] =	sst s0  }
0x18: {  	s0 =	sld [smem:$0x3F9E];
	_ =	swait.ge [sflag:s4], $0x0  }
0x19: {  	s7 =	sld [smem:$0x3F9F]  }
0x1a: {  	s8 =	sadd.s32 $0xFFFFE003, lr  }
0x1b: {  	s9 =	sadd.s32 $0xFFFFFEF7, lr;
	s5 =	simm.s32 $0xFFFFFFFF;
	p2 =	slt.u32 s8, $0xFFFFF086  }
0x1c: {  	p1 =	slt.u32 s9, $0xF7A;
	s5 =	simm.s32 @!p2 $0x0  }
0x1d: {  	s5 =	simm.s32 @p1 $0x1;
	p0 =	seq.s32 s7, s2  }
0x1e: {  	s7 =	smul.u32 @!p0 $0xF7A, s2;
	p2 =	seq.s32 @!p0 s5, $0x0  }
0x1f: {  	s9 =	smul.u32 $0xF7A, s1;
	s8 =	simm.s32 @!p0 $0x1BF5;
	p2 =	por !p2, p0  }
0x20: {  	[sflag:s8] =	ssyncset.s32 @!p0 $0xFFFFF086;
	s6 =	sadd.s32 @!p0 s3, s7;
	s7 =	simm.s32 @!p0 $0x108  }
0x21: {  	s3 =	sadd.s32 s3, s9;
	s6 =	sadd.s32 @!p0 $0x88, s6;
	s7 =	simm.s32 @p2 $0x1082  }
0x22: {  	[simem:s7], [sflag:s8] =	dma.local @!p0 [hbm:s6], $0xF7A  }
0x23: {  	s9 =	sor.u32 $0xD0000000, s2;
	s6 =	simm.s32 $0x108;
	_ =	swait.ge @!p0 [sflag:s8], $0x0  }
0x24: {  	s3 =	sadd.s32 $0x88, s3;
	s6 =	simm.s32 @!p1 $0x1082;
	[sflag:s4] =	ssyncset.s32 $0xFFFFF086  }
0x25: {  	[simem:s6], [sflag:s4] =	dma.local [hbm:s3], $0xF7A  }
0x26: {  	[smem:$0x3F9F] =	sst s1;
	(tag) =	ssettag s2;
	_ =	strace s9  }
0x27: {  	s1 =	sld [smem:$0x3FAF]  }
0x28: {  	s2 =	sld [smem:$0x3FB0]  }
0x29: {  	s4 =	sld [smem:$0x3FB2]  }
0x2a: {  	p0 =	seq.s32 s5, $0x0;
	s5 =	sld [smem:$0x3FB3]  }
0x2b: {  	s6 =	sld [smem:$0x3FB4]  }
0x2c: {  	s7 =	sld [smem:$0x3FB5]  }
0x2d: {  	s3 =	simm.s32 $0x108;
	s8 =	sld [smem:$0x3FB6]  }
0x2e: {  	s3 =	simm.s32 @!p0 $0x1082;
	s9 =	sld [smem:$0x3FB7]  }
0x2f: {  	lr =	sadd.s32 s0, s3;
	s0 =	sld [smem:$0x3FAE]  }
0x30: {  	s3 =	sld [smem:$0x3FB1]  }
0x31: {  	[smem:$0x3FBA] =	sst s10  }
0x32: {  	s10 =	sld [smem:$0x3FB8];
	_ =	sdelay $0x3  }
0x33: {  	p0 =	seq.s32 s10, $0x1;
	s10 =	sld [smem:$0x3FBA];
	_ =	sdelay $0x3  }
0x34: {  	[smem:$0x3FBA] =	sst s10  }
0x35: {  	s10 =	sld [smem:$0x3FB9];
	_ =	sdelay $0x3  }
0x36: {  	p1 =	seq.s32 s10, $0x1;
	s10 =	sld [smem:$0x3FBA];
	_ =	sdelay $0x3  }
0x37: {  	[smem:$0x3FBA] =	sst s10  }
0x38: {  	s10 =	sld [smem:$0x3FBB]  }
0x39: {  	_ = 	snop;
	(pc) =	sbr.ind lr, $3  }
0x3a: {  	_ = 	snop  }
0x3b: {  	_ = 	snop  }
0x3c: {  	p2 =	seq.s32 s10, $0x1;
	s10 =	sld [smem:$0x3FBA]  }
0x3d: {  	_ =	shalt  }
0x3e: {  	_ =	shalt  }
0x3f: {  	_ =	shalt  }
0x40: {  	_ =	shalt  }
0x41: {  	_ =	shalt  }
0x42: {  	_ =	shalt  }
0x43: {  	_ =	shalt  }
0x44: {  	_ =	shalt  }
0x45: {  	_ =	shalt  }
0x46: {  	_ =	shalt  }
0x47: {  	_ =	shalt  }
0x48: {  	_ =	shalt  }
0x49: {  	_ =	shalt  }
0x4a: {  	_ =	shalt  }
0x4b: {  	_ =	shalt  }
0x4c: {  	_ =	shalt  }
0x4d: {  	_ =	shalt  }
0x4e: {  	_ =	shalt  }
0x4f: {  	_ =	shalt  }
0x50: {  	_ =	shalt  }
0x51: {  	_ =	shalt  }
0x52: {  	_ =	shalt  }
0x53: {  	_ =	shalt  }
0x54: {  	_ =	shalt  }
0x55: {  	_ =	shalt  }
0x56: {  	_ =	shalt  }
0x57: {  	_ =	shalt  }
0x58: {  	_ =	shalt  }
0x59: {  	_ =	shalt  }
0x5a: {  	_ =	shalt  }
0x5b: {  	_ =	shalt  }
0x5c: {  	_ =	shalt  }
0x5d: {  	_ =	shalt  }
0x5e: {  	_ =	shalt  }
0x5f: {  	_ =	shalt  }
0x60: {  	_ =	shalt  }
0x61: {  	_ =	shalt  }
0x62: {  	_ =	shalt  }
0x63: {  	_ =	shalt  }
0x64: {  	_ =	shalt  }
0x65: {  	_ =	shalt  }
0x66: {  	_ =	shalt  }
0x67: {  	_ =	shalt  }
0x68: {  	_ =	shalt  }
0x69: {  	_ =	shalt  }
0x6a: {  	_ =	shalt  }
0x6b: {  	_ =	shalt  }
0x6c: {  	_ =	shalt  }
0x6d: {  	_ =	shalt  }
0x6e: {  	_ =	shalt  }
0x6f: {  	_ =	shalt  }
0x70: {  	_ =	shalt  }
0x71: {  	_ =	shalt  }
0x72: {  	_ =	shalt  }
0x73: {  	_ =	shalt  }
0x74: {  	_ =	shalt  }
0x75: {  	_ =	shalt  }
0x76: {  	_ =	shalt  }
0x77: {  	_ =	shalt  }
0x78: {  	_ =	shalt  }
0x79: {  	_ =	shalt  }
0x7a: {  	_ =	shalt  }
0x7b: {  	_ =	shalt  }
0x7c: {  	_ =	shalt  }
0x7d: {  	_ =	shalt  }
0x7e: {  	_ =	shalt  }
0x7f: {  	_ =	shalt  }
0x80: {  	_ =	shalt  }
0x81: {  	_ =	shalt  }
0x82: {  	_ =	shalt  }
0x83: {  	_ =	shalt  }
0x84: {  	_ =	shalt  }
0x85: {  	_ =	shalt  }
0x86: {  	_ =	shalt  }
0x87: {  	_ =	shalt  }
.Lfunc_end0:
.L_simem_size_0:
called_computation.1_lowered:
.L_overlay_start_0:
0x88: {  	s2 =	sld [smem:$0x3FD9]  }
0x89: {  	s3 =	sld [smem:$0x3FFE];
	_ =	sdelay $0x1  }
0x8a: {  	s1 =	srdreg.scid  }
0x8b: {  	s0 =	sand.u32 $0x1, s1  }
0x8c: {  	s17 =	sshll.u32 s0, $0xA;
	s2 =	sadd.s32 s3, s2  }
0x8d: {  	s2 =	sadd.s32 s2, s17  }
0x8e: {  	[smem:$0x3FC6] =	sst s2  }
0x8f: {  	_ = 	snop  }
0x90: {  	s2 =	sld [smem:$0x3FD0];
	(tm) =	ssettm $0x1  }
0x91: {  	s18 =	sld [smem:$0x3FFB];
	_ =	sdelay $0x3  }
0x92: {  	_ =	strace s18  }
0x93: {  	s3 =	sld [smem:$0x3FFC];
	_ =	sdelay $0x3  }
0x94: {  	_ =	strace s3  }
0x95: {  	s3 =	sld [smem:$0x3FFD];
	_ =	sdelay $0x3  }
0x96: {  	_ =	strace s3  }
0x97: {  	_ =	strace $0x8FFFFFFF  }
0x98: {  	s19 =	sld [smem:$0x3FDB];
	_ =	sdelay $0x1  }
0x99: {  	s4 =	simm.s32 $_scs_section_size  }
0x9a: {  	s5 =	simm.s32 $_size__tile_overlayer_lowered;
	s6 =	simm.s32 $_tile_overlayer_lowered  }
0x9b: {  	s22 =	simm.s32 $0x1BFF;
	s21 =	sshll.u32 s6, $0x1;
	s3 =	sadd.s32 s4, s19  }
0x9c: {  	s7 =	simm.s32 $0x0;
	s20 =	sshll.u32 s5, $0x1;
	s5 =	sadd.s32 s21, s3  }
0x9d: {  	[timem:s7], [sflag:s22] =	dma.local [hbm:s5], s20  }
0x9e: {  	_ =	swait.ge [sflag:s22], s20  }
0x9f: {  	s4 =	ssub.s32 $0x0, s20;
	[sflag:s22] =	ssyncset.done $0x0  }
0xa0: {  	[sflag:s22] =	ssyncadd.s32 s4;
	_ =	sdelay $0x1  }
0xa1: {  	s23 =	simm.s32 $0x1B8B  }
0xa2: {  	_ =	swait.ge [sflag:s23], $0x1  }
0xa3: {  	[sflag:s23] =	ssyncset.done $0x0  }
0xa4: {  	s25 =	simm.s32 $0x1B8E;
	s24 =	sld [smem:$0x3FFE];
	[sflag:s23] =	ssyncadd.s32 $0xFFFFFFFF  }
0xa5: {  	s26 =	simm.s32 $execute0_lowered;
	[smem:$0x3FD2] =	sst s25  }
0xa6: {  	s5 =	sshll.u32 s26, $0x1;
	_ =	strace $0x80000046;
	[dreg:$0x1] =	wrdreg $0xFFFFFFFF  }
0xa7: {  	s28 =	simm.s32 $_size_execute0_lowered;
	s3 =	sadd.s32 s3, s5;
	[dreg:$0x0] =	wrdreg $0x0  }
0xa8: {  	s5 =	sshll.u32 s28, $0x1;
	[dreg:$0x2] =	wrdreg s3  }
0xa9: {  	[dreg:$0x3] =	wrdreg s5  }
0xaa: {  	[dreg:$0x4] =	wrdreg $0xC0  }
0xab: {  	_ =	task [dreg:s7], $0x5FFFF  }
0xac: {  	[dreg:$0x1] =	wrdreg $0xFFFFFFFF  }
0xad: {  	[dreg:$0x0] =	wrdreg $0x60  }
0xae: {  	[dreg:$0x2] =	wrdreg s24  }
0xaf: {  	[dreg:$0x3] =	wrdreg s2  }
0xb0: {  	[dreg:$0x4] =	wrdreg $0x9  }
0xb1: {  	_ =	task.clear_ibuf [dreg:s7], $0x5FFFF;
	_ =	strace $0x90000046  }
0xb2: {  	s29 =	simm.s32 $0x9;
	_ =	strace $0x80000048  }
0xb3: {  	_ =	swait.ge [sflag:s29], $0x1  }
0xb4: {  	[sflag:s29] =	ssyncadd.s32 $0xFFFFFFFF  }
0xb5: {  	_ =	strace $0x90000048  }
0xb6: {  	_ =	sfence  }
0xb7: {  	s30 =	sld [smem:$0x0];
	_ =	sdelay $0x2  }
0xb8: {  	s31 =	sshll.u32 s1, $0xD;
	s1 =	sshrl.u32 s1, $0x2  }
0xb9: {  	s3 =	sand.u32 $0x4000, s31;
	s1 =	sadd.s32 s1, s30  }
0xba: {  	s0 =	sor.u32 s3, s0;
	s1 =	sshll.u32 s1, $0x11  }
0xbb: {  	s0 =	sor.u32 s1, s0  }
0xbc: {  	s0 =	sadd.s32 $0x8F2B, s0  }
0xbd: {  	[sflag:s0] =	ssyncadd.remote.s32 $0x1  }
0xbe: {  	_ =	sfence.sel $0xFFFF  }
0xbf: {  	[dreg:$0x0] =	wrdreg $0xFFFFFFFF;
	(pc) =	sbr.abs _section_cstart, $3  }
0xc0: {  	[dreg:$0x1] =	wrdreg $0xFFFFFFFF  }
0xc1: {  	_ =	task.clear_ibuf [dreg:s7], $0x2FFFF;
	_ =	strace $0x9FFFFFFF  }
0xc2: {  	(tm) =	ssettm $0x7FFFFFFF  }
0xc3: {  	_ =	shalt  }
tec
execute0_lowered:
.L_overlay_start_1:
0x0: {  	(tag) =	ssettag $0x1  }
0x1: {  	s5 =	rddreg [dreg:$0x0];
	s1 =	srdreg.scid  }
0x2: {  	s0 =	stileid.u32;
	s2 =	rddreg [dreg:$0x1]  }
0x3: {  	s3 =	simm.s32 $0x0;
	s10 =	simm.s32 $0x200;
	s11 =	simm.s32 $0x6400  }
0x4: {  	s12 =	simm.s32 $0xE400;
	s13 =	simm.s32 $0x16400;
	s14 =	simm.s32 $0x1  }
0x5: {  	s15 =	simm.s32 $0x2;
	s16 =	simm.s32 $0x4;
	s17 =	simm.s32 $0x5  }
0x6: {  	s18 =	simm.s32 $0x6;
	s19 =	simm.s32 $0x3;
	s20 =	simm.s32 $0x0  }
0x7: {  	s4 =	sand.u32 $0x1, s1;
	s6 =	sshll.u32 s0, $0x1;
	s1 =	rddreg [dreg:$0x2]  }
.Ltmp0:
0x8: {  	s6 =	sor.u32 s4, s6;
	s8 =	ssub.s32 $0x2, s4;
	(pc) =	sbr.rel .LBB2_1-.Ltmp0, $4  }
0x9: {  	[smem:$0x7FF] =	sst s3;
	s7 =	smul.u32 $0xC80, s6;
	s9 =	sshrl.u32 s8, $0x1  }
0xa: {  	_ =	strace $0x80000047;
	s4 =	smul.u32 $0x32, s6;
	s8 =	ssub.s32 s8, s9  }
0xb: {  	s9 =	simm.s32 $0x7;
	s31 =	sadd.s32 s7, s5;
	s5 =	sadd.s32 $0xF42E00, s5  }
0xc: {  	s7 =	sor.u32 $0x1, s4;
	s8 =	smax.u32 s8, $0x1;
	s6 =	sadd.s32 $0xA00, s31  }
.LBB2_15:
0xd: {  	_ =	swait.ge [sflag:s16], $0x8000  }
0xe: {  	[sflag:s16] =	ssyncset.done $0x0  }
0xf: {  	s20 =	sadd.s32 $0x1, s20;
	[sflag:s16] =	ssyncadd.s32 $0xFFFF8000  }
0x10: {  	p0 =	sne.s32 s20, s8;
	_ =	swait.ge [sflag:s17], $0x8000  }
.Ltmp1:
0x11: {  	[sflag:s17] =	ssyncset.done $0x0;
	(pc) =	sbr.rel @!p0 .LBB2_16-.Ltmp1, $4  }
0x12: {  	[sflag:s17] =	ssyncadd.s32 $0xFFFF8000  }
0x13: {  	_ =	swait.ge [sflag:s18], $0x8000  }
0x14: {  	[sflag:s18] =	ssyncset.done $0x0  }
0x15: {  	[sflag:s18] =	ssyncadd.s32 $0xFFFF8000  }
.LBB2_1:
0x16: {  	[tilespmem:s3], [sflag:$0x7] =	stream.linear.gather [hbm4b:s6+s3], $0x6400, $0x38;
	[tilespmem:$0x1E400] =	vst v63  }
0x17: {  	_ =	swait.ge [sflag:s9], $0x6400  }
0x18: {  	[sflag:s9] =	ssyncset.done $0x0  }
0x19: {  	[sflag:s9] =	ssyncadd.s32 $0xFFFF9C00  }
0x1a: {  	[tilespmem:s11], [sflag:$0x1] =	stream.indirect.gather [hbm4b:s5+s10], $0x40, s3, s10, $0xb8;
	[tilespmem:$0x1E400] =	vst v63  }
0x1b: {  	s21 =	simm.s32 $0x0  }
0x1c: {  	[tilespmem:s12], [sflag:$0x2] =	stream.indirect.gather [hbm4b:s5+s10], $0x40, s10, s10, $0xb8;
	[tilespmem:$0x1E400] =	vst v63  }
.LBB2_2:
0x1d: {  	p0 =	seq.s32 s21, $0x0  }
.Ltmp2:
0x1e: {  	_ = 	snop;
	(pc) =	sbr.rel @p0 .LBB2_3-.Ltmp2, $3  }
0x1f: {  	_ = 	snop  }
0x20: {  	s23 =	smul.u32 $0x3, s21;
	_ =	sdelay $0x1  }
0x21: {  	s22 =	sadd.s32 $0x2, s23  }
0x22: {  	p0 =	seq.s32 s21, $0x10  }
.Ltmp3:
0x23: {  	_ = 	snop;
	(pc) =	sbr.rel @p0 .LBB2_7-.Ltmp3, $1  }
0x24: {  	_ =	sdelay $0x3  }
.Ltmp4:
0x25: {  	(pc) =	sbr.rel .LBB2_6-.Ltmp4, $4  }
0x26: {  	_ = 	snop  }
0x27: {  	_ =	swait.ge [sflag:s18], $0x8000  }
0x28: {  	s24 =	sshll.u32 s22, $0x9;
	[sflag:s18] =	ssyncset.done $0x0  }
0x29: {  	s24 =	sand.u32 $0x3FFFFE00, s24;
	[sflag:s18] =	ssyncadd.s32 $0xFFFF8000  }
.LBB2_3:
0x2a: {  	s24 =	simm.s32 $0x400  }
.LBB2_6:
0x2b: {  	[tilespmem:s13], [sflag:$0x3] =	stream.indirect.gather [hbm4b:s5+s10], $0x40, s24, s10, $0xb8;
	[tilespmem:$0x1E400] =	vst v63  }
.LBB2_7:
0x2c: {  	_ =	swait.ge [sflag:s14], $0x8000  }
0x2d: {  	[sflag:s14] =	ssyncset.done $0x0  }
0x2e: {  	s24 =	simm.s32 $0x6500;
	[sflag:s14] =	ssyncadd.s32 $0xFFFF8000  }
0x2f: {  	v0 =	vld [tilespmem:s24+$0xF0]  }
0x30: {  	v1 =	vld [tilespmem:s24+$0xFFFFFF10]  }
0x31: {  	v2 =	vld [tilespmem:s24+$0xFFFFFF20]  }
0x32: {  	v3 =	vld [tilespmem:s24+$0xFFFFFF30]  }
0x33: {  	v4 =	vld [tilespmem:s24+$0xFFFFFF40]  }
0x34: {  	v5 =	vld [tilespmem:s24+$0xFFFFFF50];
	v0 =	vmul.f32 $8.000000000e+00, v0  }
0x35: {  	v6 =	vld [tilespmem:s24+$0xFFFFFF60];
	v1 =	vmul.f32 $8.000000000e+00, v1  }
0x36: {  	v7 =	vld [tilespmem:s24+$0xFFFFFF70];
	v2 =	vmul.f32 $8.000000000e+00, v2;
	[tilespmem:s24+$0xF0] =	vst v0  }
0x37: {  	[tilespmem:s24+$0xFFFFFF10] =	vst v1;
	v0 =	vmul.f32 $8.000000000e+00, v3;
	v1 =	vld [tilespmem:s24+$0xFFFFFF80]  }
0x38: {  	[tilespmem:s24+$0xFFFFFF20] =	vst v2;
	v2 =	vmul.f32 $8.000000000e+00, v4;
	v3 =	vld [tilespmem:s24+$0xFFFFFF90]  }
0x39: {  	v4 =	vld [tilespmem:s24+$0xFFFFFFA0];
	[tilespmem:s24+$0xFFFFFF30] =	vst v0;
	v0 =	vmul.f32 $8.000000000e+00, v5  }
0x3a: {  	[tilespmem:s24+$0xFFFFFF40] =	vst v2;
	v2 =	vmul.f32 $8.000000000e+00, v6;
	v5 =	vld [tilespmem:s24+$0xFFFFFFB0]  }
0x3b: {  	v6 =	vld [tilespmem:s24+$0xFFFFFFC0];
	[tilespmem:s24+$0xFFFFFF50] =	vst v0;
	v0 =	vmul.f32 $8.000000000e+00, v7  }
0x3c: {  	[tilespmem:s24+$0xFFFFFF60] =	vst v2;
	v2 =	vld [tilespmem:s24+$0xFFFFFFD0];
	v1 =	vmul.f32 $8.000000000e+00, v1  }
0x3d: {  	[tilespmem:s24+$0xFFFFFF70] =	vst v0;
	v0 =	vmul.f32 $8.000000000e+00, v3;
	v3 =	vld [tilespmem:s24+$0xFFFFFFE0]  }
0x3e: {  	[tilespmem:s24+$0xFFFFFF80] =	vst v1;
	v1 =	vmul.f32 $8.000000000e+00, v4;
	v4 =	vld [tilespmem:s24+$0xFFFFFFF0]  }
0x3f: {  	[tilespmem:s24+$0xFFFFFF90] =	vst v0;
	v0 =	vmul.f32 $8.000000000e+00, v5;
	v5 =	vld [tilespmem:s24+$0x0]  }
0x40: {  	[tilespmem:s24+$0xFFFFFFA0] =	vst v1;
	v1 =	vmul.f32 $8.000000000e+00, v6;
	v6 =	vld [tilespmem:s24+$0x10]  }
0x41: {  	[tilespmem:s24+$0xFFFFFFB0] =	vst v0;
	v0 =	vmul.f32 $8.000000000e+00, v2;
	v2 =	vld [tilespmem:s24+$0x20]  }
0x42: {  	[tilespmem:s24+$0xFFFFFFC0] =	vst v1;
	v1 =	vmul.f32 $8.000000000e+00, v3;
	v3 =	vld [tilespmem:s24+$0x30]  }
0x43: {  	[tilespmem:s24+$0xFFFFFFD0] =	vst v0;
	v0 =	vmul.f32 $8.000000000e+00, v4;
	v4 =	vld [tilespmem:s24+$0x40]  }
0x44: {  	[tilespmem:s24+$0xFFFFFFE0] =	vst v1;
	v1 =	vmul.f32 $8.000000000e+00, v5;
	v5 =	vld [tilespmem:s24+$0x50]  }
0x45: {  	[tilespmem:s24+$0xFFFFFFF0] =	vst v0;
	v0 =	vmul.f32 $8.000000000e+00, v6;
	v6 =	vld [tilespmem:s24+$0x60]  }
0x46: {  	[tilespmem:s24+$0x0] =	vst v1;
	v1 =	vmul.f32 $8.000000000e+00, v2;
	v2 =	vld [tilespmem:s24+$0x70]  }
0x47: {  	[tilespmem:s24+$0x10] =	vst v0;
	v0 =	vmul.f32 $8.000000000e+00, v3;
	v3 =	vld [tilespmem:s24+$0x80]  }
0x48: {  	[tilespmem:s24+$0x20] =	vst v1;
	v1 =	vmul.f32 $8.000000000e+00, v4;
	v4 =	vld [tilespmem:s24+$0x90]  }
0x49: {  	v7 =	vld [tilespmem:s24+$0xA0];
	[tilespmem:s24+$0x30] =	vst v0;
	v5 =	vmul.f32 $8.000000000e+00, v5  }
0x4a: {  	v0 =	vld [tilespmem:s24+$0xB0];
	[tilespmem:s24+$0x40] =	vst v1;
	v6 =	vmul.f32 $8.000000000e+00, v6  }
0x4b: {  	v1 =	vld [tilespmem:s24+$0xC0];
	[tilespmem:s24+$0x50] =	vst v5;
	v5 =	vmul.f32 $8.000000000e+00, v2  }
0x4c: {  	v2 =	vld [tilespmem:s24+$0xD0];
	[tilespmem:s24+$0x60] =	vst v6;
	v6 =	vmul.f32 $8.000000000e+00, v3  }
0x4d: {  	v3 =	vld [tilespmem:s24+$0xE0];
	[tilespmem:s24+$0x70] =	vst v5;
	v5 =	vmul.f32 $8.000000000e+00, v4  }
0x4e: {  	s25 =	simm.s32 $0x0;
	s26 =	simm.s32 $0x6700;
	v4 =	vld [tilespmem:s24+$0xFFFFFF00];
	[tilespmem:s24+$0x80] =	vst v6;
	v6 =	vmul.f32 $8.000000000e+00, v7  }
.LBB2_8:
0x4f: {  	v7 =	vld [tilespmem:s26+$0xF0];
	s25 =	sadd.s32 $0x8, s25;
	[tilespmem:s24+$0x90] =	vst v5;
	v0 =	vmul.f32 $8.000000000e+00, v0  }
0x50: {  	v5 =	vld [tilespmem:s26+$0xFFFFFF10];
	p0 =	slt.u32 s25, $0x1F8;
	[tilespmem:s24+$0xA0] =	vst v6;
	v1 =	vmul.f32 $8.000000000e+00, v1  }
0x51: {  	v6 =	vld [tilespmem:s26+$0xFFFFFF20];
	[tilespmem:s24+$0xB0] =	vst v0;
	v0 =	vmul.f32 $8.000000000e+00, v2  }
0x52: {  	v2 =	vld [tilespmem:s26+$0xFFFFFF30];
	[tilespmem:s24+$0xC0] =	vst v1;
	v1 =	vmul.f32 $8.000000000e+00, v3  }
0x53: {  	v3 =	vld [tilespmem:s26+$0xFFFFFF40];
	v4 =	vmul.f32 $8.000000000e+00, v4;
	[tilespmem:s24+$0xD0] =	vst v0  }
0x54: {  	v0 =	vld [tilespmem:s26+$0xFFFFFF50];
	v7 =	vmul.f32 $8.000000000e+00, v7;
	[tilespmem:s24+$0xE0] =	vst v1  }
0x55: {  	v1 =	vmul.f32 $8.000000000e+00, v5;
	v5 =	vld [tilespmem:s26+$0xFFFFFF60];
	[tilespmem:s24+$0xFFFFFF00] =	vst v4;
	s24 =	smov.u32 s26  }
0x56: {  	v4 =	vmul.f32 $8.000000000e+00, v6;
	v6 =	vld [tilespmem:s26+$0xFFFFFF70];
	[tilespmem:s26+$0xF0] =	vst v7  }
0x57: {  	[tilespmem:s26+$0xFFFFFF10] =	vst v1;
	v1 =	vmul.f32 $8.000000000e+00, v2;
	v2 =	vld [tilespmem:s26+$0xFFFFFF80]  }
0x58: {  	[tilespmem:s26+$0xFFFFFF20] =	vst v4;
	v3 =	vmul.f32 $8.000000000e+00, v3;
	v4 =	vld [tilespmem:s26+$0xFFFFFF90]  }
0x59: {  	[tilespmem:s26+$0xFFFFFF30] =	vst v1;
	v0 =	vmul.f32 $8.000000000e+00, v0;
	v1 =	vld [tilespmem:s26+$0xFFFFFFA0]  }
0x5a: {  	[tilespmem:s26+$0xFFFFFF40] =	vst v3;
	v3 =	vmul.f32 $8.000000000e+00, v5;
	v5 =	vld [tilespmem:s26+$0xFFFFFFB0]  }
0x5b: {  	[tilespmem:s26+$0xFFFFFF50] =	vst v0;
	v0 =	vmul.f32 $8.000000000e+00, v6;
	v6 =	vld [tilespmem:s26+$0xFFFFFFC0]  }
0x5c: {  	[tilespmem:s26+$0xFFFFFF60] =	vst v3;
	v2 =	vmul.f32 $8.000000000e+00, v2;
	v3 =	vld [tilespmem:s26+$0xFFFFFFD0]  }
0x5d: {  	[tilespmem:s26+$0xFFFFFF70] =	vst v0;
	v0 =	vmul.f32 $8.000000000e+00, v4;
	v4 =	vld [tilespmem:s26+$0xFFFFFFE0]  }
0x5e: {  	[tilespmem:s26+$0xFFFFFF80] =	vst v2;
	v1 =	vmul.f32 $8.000000000e+00, v1;
	v2 =	vld [tilespmem:s26+$0xFFFFFFF0]  }
0x5f: {  	[tilespmem:s26+$0xFFFFFF90] =	vst v0;
	v0 =	vmul.f32 $8.000000000e+00, v5;
	v5 =	vld [tilespmem:s26+$0x0]  }
0x60: {  	[tilespmem:s26+$0xFFFFFFA0] =	vst v1;
	v1 =	vmul.f32 $8.000000000e+00, v6;
	v6 =	vld [tilespmem:s26+$0x10]  }
0x61: {  	[tilespmem:s26+$0xFFFFFFB0] =	vst v0;
	v0 =	vmul.f32 $8.000000000e+00, v3;
	v3 =	vld [tilespmem:s26+$0x20]  }
0x62: {  	[tilespmem:s26+$0xFFFFFFC0] =	vst v1;
	v1 =	vmul.f32 $8.000000000e+00, v4;
	v4 =	vld [tilespmem:s26+$0x30]  }
0x63: {  	[tilespmem:s26+$0xFFFFFFD0] =	vst v0;
	v0 =	vmul.f32 $8.000000000e+00, v2;
	v2 =	vld [tilespmem:s26+$0x40]  }
0x64: {  	[tilespmem:s26+$0xFFFFFFE0] =	vst v1;
	v1 =	vmul.f32 $8.000000000e+00, v5;
	v5 =	vld [tilespmem:s26+$0x50]  }
0x65: {  	[tilespmem:s26+$0xFFFFFFF0] =	vst v0;
	v0 =	vmul.f32 $8.000000000e+00, v6;
	v6 =	vld [tilespmem:s26+$0x60]  }
0x66: {  	[tilespmem:s26+$0x0] =	vst v1;
	v1 =	vmul.f32 $8.000000000e+00, v3;
	v3 =	vld [tilespmem:s26+$0x70]  }
0x67: {  	[tilespmem:s26+$0x10] =	vst v0;
	v0 =	vmul.f32 $8.000000000e+00, v4;
	v4 =	vld [tilespmem:s26+$0x80]  }
0x68: {  	[tilespmem:s26+$0x20] =	vst v1;
	v1 =	vmul.f32 $8.000000000e+00, v2;
	v7 =	vld [tilespmem:s26+$0x90]  }
0x69: {  	[tilespmem:s26+$0x30] =	vst v0;
	v2 =	vmul.f32 $8.000000000e+00, v5;
	v8 =	vld [tilespmem:s26+$0xA0]  }
.Ltmp5:
0x6a: {  	[tilespmem:s26+$0x40] =	vst v1;
	v5 =	vmul.f32 $8.000000000e+00, v6;
	v0 =	vld [tilespmem:s26+$0xB0];
	(pc) =	sbr.rel @p0 .LBB2_8-.Ltmp5, $4  }
0x6b: {  	[tilespmem:s26+$0x50] =	vst v2;
	v3 =	vmul.f32 $8.000000000e+00, v3;
	v1 =	vld [tilespmem:s26+$0xC0]  }
0x6c: {  	[tilespmem:s26+$0x60] =	vst v5;
	v6 =	vmul.f32 $8.000000000e+00, v4;
	v2 =	vld [tilespmem:s26+$0xD0]  }
0x6d: {  	[tilespmem:s26+$0x70] =	vst v3;
	v5 =	vmul.f32 $8.000000000e+00, v7;
	v3 =	vld [tilespmem:s26+$0xE0]  }
0x6e: {  	s26 =	sadd.s32 $0x200, s26;
	v4 =	vld [tilespmem:s24+$0xFFFFFF00];
	[tilespmem:s24+$0x80] =	vst v6;
	v6 =	vmul.f32 $8.000000000e+00, v8  }
0x6f: {  	[tilespmem:s24+$0x90] =	vst v5;
	v0 =	vmul.f32 $8.000000000e+00, v0  }
0x70: {  	[tilespmem:s24+$0xA0] =	vst v6;
	v1 =	vmul.f32 $8.000000000e+00, v1  }
0x71: {  	[tilespmem:s24+$0xB0] =	vst v0;
	v0 =	vmul.f32 $8.000000000e+00, v2  }
0x72: {  	[tilespmem:s24+$0xC0] =	vst v1;
	v1 =	vmul.f32 $8.000000000e+00, v3  }
0x73: {  	s25 =	sadd.s32 s4, s23;
	v2 =	vmul.f32 $8.000000000e+00, v4;
	[tilespmem:s24+$0xD0] =	vst v0  }
0x74: {  	p0 =	seq.s32 s21, $0x10;
	s25 =	sshll.u32 s25, $0xC;
	[tilespmem:s24+$0xE0] =	vst v1  }
0x75: {  	s31 =	sadd.s32 s2, s25;
	[tilespmem:s24+$0xFFFFFF00] =	vst v2;
	s24 =	simm.s32 @!p0 $0x4  }
0x76: {  	[hbm4b:s31+s3] =	stream.linear.scatter [tilespmem:s11], [sflag:$0x4], $0x8000, $0x38;
	[tilespmem:$0x1E400] =	vst v63  }
0x77: {  	s25 =	smul.u32 @!p0 $0x1800, s21;
	_ =	swait.ge @!p0 [sflag:s24], $0x8000  }
0x78: {  	[sflag:s24] =	ssyncset.done @!p0 $0x0  }
0x79: {  	[sflag:s24] =	ssyncadd.s32 @!p0 $0xFFFF8000;
	s24 =	sshra.s32 @!p0 s25, $0x2  }
0x7a: {  	s26 =	simm.s32 @!p0 $0x6400;
	s25 =	simm.s32 @!p0 $0x200;
	s24 =	sadd.s32 @!p0 $0x600, s24  }
0x7b: {  	[tilespmem:s26], [sflag:$0x1] =	stream.indirect.gather @!p0 [hbm4b:s5+s25], $0x40, s24, s25, $0xb8;
	[tilespmem:$0x1E400] =	vst v63  }
0x7c: {  	_ =	swait.ge [sflag:s15], $0x8000  }
0x7d: {  	[sflag:s15] =	ssyncset.done $0x0  }
0x7e: {  	s24 =	simm.s32 $0xE400;
	[sflag:s15] =	ssyncadd.s32 $0xFFFF8000  }
0x7f: {  	v0 =	vld [tilespmem:s24+$0x1F0]  }
0x80: {  	v1 =	vld [tilespmem:s24+$0x10]  }
0x81: {  	v2 =	vld [tilespmem:s24+$0x20]  }
0x82: {  	v3 =	vld [tilespmem:s24+$0x30]  }
0x83: {  	v4 =	vld [tilespmem:s24+$0x40]  }
0x84: {  	v5 =	vld [tilespmem:s24+$0x50];
	v0 =	vmul.f32 $8.000000000e+00, v0  }
0x85: {  	v6 =	vld [tilespmem:s24+$0x60];
	v1 =	vmul.f32 $8.000000000e+00, v1  }
0x86: {  	v7 =	vld [tilespmem:s24+$0x70];
	v2 =	vmul.f32 $8.000000000e+00, v2;
	[tilespmem:s24+$0x1F0] =	vst v0  }
0x87: {  	[tilespmem:s24+$0x10] =	vst v1;
	v0 =	vmul.f32 $8.000000000e+00, v3;
	v1 =	vld [tilespmem:s24+$0x80]  }
0x88: {  	[tilespmem:s24+$0x20] =	vst v2;
	v2 =	vmul.f32 $8.000000000e+00, v4;
	v3 =	vld [tilespmem:s24+$0x90]  }
0x89: {  	v4 =	vld [tilespmem:s24+$0xA0];
	[tilespmem:s24+$0x30] =	vst v0;
	v0 =	vmul.f32 $8.000000000e+00, v5  }
0x8a: {  	[tilespmem:s24+$0x40] =	vst v2;
	v2 =	vmul.f32 $8.000000000e+00, v6;
	v5 =	vld [tilespmem:s24+$0xB0]  }
0x8b: {  	v6 =	vld [tilespmem:s24+$0xC0];
	[tilespmem:s24+$0x50] =	vst v0;
	v0 =	vmul.f32 $8.000000000e+00, v7  }
0x8c: {  	[tilespmem:s24+$0x60] =	vst v2;
	v2 =	vld [tilespmem:s24+$0xD0];
	v1 =	vmul.f32 $8.000000000e+00, v1  }
0x8d: {  	[tilespmem:s24+$0x70] =	vst v0;
	v0 =	vmul.f32 $8.000000000e+00, v3;
	v3 =	vld [tilespmem:s24+$0xE0]  }
0x8e: {  	[tilespmem:s24+$0x80] =	vst v1;
	v1 =	vmul.f32 $8.000000000e+00, v4;
	v4 =	vld [tilespmem:s24+$0xF0]  }
0x8f: {  	[tilespmem:s24+$0x90] =	vst v0;
	v0 =	vmul.f32 $8.000000000e+00, v5;
	v5 =	vld [tilespmem:s24+$0x100]  }
0x90: {  	[tilespmem:s24+$0xA0] =	vst v1;
	v1 =	vmul.f32 $8.000000000e+00, v6;
	v6 =	vld [tilespmem:s24+$0x110]  }
0x91: {  	[tilespmem:s24+$0xB0] =	vst v0;
	v0 =	vmul.f32 $8.000000000e+00, v2;
	v2 =	vld [tilespmem:s24+$0x120]  }
0x92: {  	[tilespmem:s24+$0xC0] =	vst v1;
	v1 =	vmul.f32 $8.000000000e+00, v3;
	v3 =	vld [tilespmem:s24+$0x130]  }
0x93: {  	[tilespmem:s24+$0xD0] =	vst v0;
	v0 =	vmul.f32 $8.000000000e+00, v4;
	v4 =	vld [tilespmem:s24+$0x140]  }
0x94: {  	[tilespmem:s24+$0xE0] =	vst v1;
	v1 =	vmul.f32 $8.000000000e+00, v5;
	v5 =	vld [tilespmem:s24+$0x150]  }
0x95: {  	[tilespmem:s24+$0xF0] =	vst v0;
	v0 =	vmul.f32 $8.000000000e+00, v6;
	v6 =	vld [tilespmem:s24+$0x160]  }
0x96: {  	[tilespmem:s24+$0x100] =	vst v1;
	v1 =	vmul.f32 $8.000000000e+00, v2;
	v2 =	vld [tilespmem:s24+$0x170]  }
0x97: {  	[tilespmem:s24+$0x110] =	vst v0;
	v0 =	vmul.f32 $8.000000000e+00, v3;
	v3 =	vld [tilespmem:s24+$0x180]  }
0x98: {  	[tilespmem:s24+$0x120] =	vst v1;
	v1 =	vmul.f32 $8.000000000e+00, v4;
	v4 =	vld [tilespmem:s24+$0x190]  }
0x99: {  	v7 =	vld [tilespmem:s24+$0x1A0];
	[tilespmem:s24+$0x130] =	vst v0;
	v5 =	vmul.f32 $8.000000000e+00, v5  }
0x9a: {  	v0 =	vld [tilespmem:s24+$0x1B0];
	[tilespmem:s24+$0x140] =	vst v1;
	v6 =	vmul.f32 $8.000000000e+00, v6  }
0x9b: {  	v1 =	vld [tilespmem:s24+$0x1C0];
	[tilespmem:s24+$0x150] =	vst v5;
	v5 =	vmul.f32 $8.000000000e+00, v2  }
0x9c: {  	v2 =	vld [tilespmem:s24+$0x1D0];
	[tilespmem:s24+$0x160] =	vst v6;
	v6 =	vmul.f32 $8.000000000e+00, v3  }
0x9d: {  	v3 =	vld [tilespmem:s24+$0x1E0];
	[tilespmem:s24+$0x170] =	vst v5;
	v5 =	vmul.f32 $8.000000000e+00, v4  }
0x9e: {  	s25 =	simm.s32 $0x0;
	s26 =	simm.s32 $0xE600;
	v4 =	vld [tilespmem:s24+$0x0];
	[tilespmem:s24+$0x180] =	vst v6;
	v6 =	vmul.f32 $8.000000000e+00, v7  }
.LBB2_10:
0x9f: {  	v7 =	vld [tilespmem:s26+$0x1F0];
	s25 =	sadd.s32 $0x8, s25;
	[tilespmem:s24+$0x190] =	vst v5;
	v0 =	vmul.f32 $8.000000000e+00, v0  }
0xa0: {  	v5 =	vld [tilespmem:s26+$0x10];
	p1 =	slt.u32 s25, $0x1F8;
	[tilespmem:s24+$0x1A0] =	vst v6;
	v1 =	vmul.f32 $8.000000000e+00, v1  }
0xa1: {  	v6 =	vld [tilespmem:s26+$0x20];
	[tilespmem:s24+$0x1B0] =	vst v0;
	v0 =	vmul.f32 $8.000000000e+00, v2  }
0xa2: {  	v2 =	vld [tilespmem:s26+$0x30];
	[tilespmem:s24+$0x1C0] =	vst v1;
	v1 =	vmul.f32 $8.000000000e+00, v3  }
0xa3: {  	v3 =	vld [tilespmem:s26+$0x40];
	v4 =	vmul.f32 $8.000000000e+00, v4;
	[tilespmem:s24+$0x1D0] =	vst v0  }
0xa4: {  	v0 =	vld [tilespmem:s26+$0x50];
	v7 =	vmul.f32 $8.000000000e+00, v7;
	[tilespmem:s24+$0x1E0] =	vst v1  }
0xa5: {  	v1 =	vmul.f32 $8.000000000e+00, v5;
	v5 =	vld [tilespmem:s26+$0x60];
	[tilespmem:s24+$0x0] =	vst v4;
	s24 =	smov.u32 s26  }
0xa6: {  	v4 =	vmul.f32 $8.000000000e+00, v6;
	v6 =	vld [tilespmem:s26+$0x70];
	[tilespmem:s26+$0x1F0] =	vst v7  }
0xa7: {  	[tilespmem:s26+$0x10] =	vst v1;
	v1 =	vmul.f32 $8.000000000e+00, v2;
	v2 =	vld [tilespmem:s26+$0x80]  }
0xa8: {  	[tilespmem:s26+$0x20] =	vst v4;
	v3 =	vmul.f32 $8.000000000e+00, v3;
	v4 =	vld [tilespmem:s26+$0x90]  }
0xa9: {  	[tilespmem:s26+$0x30] =	vst v1;
	v0 =	vmul.f32 $8.000000000e+00, v0;
	v1 =	vld [tilespmem:s26+$0xA0]  }
0xaa: {  	[tilespmem:s26+$0x40] =	vst v3;
	v3 =	vmul.f32 $8.000000000e+00, v5;
	v5 =	vld [tilespmem:s26+$0xB0]  }
0xab: {  	[tilespmem:s26+$0x50] =	vst v0;
	v0 =	vmul.f32 $8.000000000e+00, v6;
	v6 =	vld [tilespmem:s26+$0xC0]  }
0xac: {  	[tilespmem:s26+$0x60] =	vst v3;
	v2 =	vmul.f32 $8.000000000e+00, v2;
	v3 =	vld [tilespmem:s26+$0xD0]  }
0xad: {  	[tilespmem:s26+$0x70] =	vst v0;
	v0 =	vmul.f32 $8.000000000e+00, v4;
	v4 =	vld [tilespmem:s26+$0xE0]  }
0xae: {  	[tilespmem:s26+$0x80] =	vst v2;
	v1 =	vmul.f32 $8.000000000e+00, v1;
	v2 =	vld [tilespmem:s26+$0xF0]  }
0xaf: {  	[tilespmem:s26+$0x90] =	vst v0;
	v0 =	vmul.f32 $8.000000000e+00, v5;
	v5 =	vld [tilespmem:s26+$0x100]  }
0xb0: {  	[tilespmem:s26+$0xA0] =	vst v1;
	v1 =	vmul.f32 $8.000000000e+00, v6;
	v6 =	vld [tilespmem:s26+$0x110]  }
0xb1: {  	[tilespmem:s26+$0xB0] =	vst v0;
	v0 =	vmul.f32 $8.000000000e+00, v3;
	v3 =	vld [tilespmem:s26+$0x120]  }
0xb2: {  	[tilespmem:s26+$0xC0] =	vst v1;
	v1 =	vmul.f32 $8.000000000e+00, v4;
	v4 =	vld [tilespmem:s26+$0x130]  }
0xb3: {  	[tilespmem:s26+$0xD0] =	vst v0;
	v0 =	vmul.f32 $8.000000000e+00, v2;
	v2 =	vld [tilespmem:s26+$0x140]  }
0xb4: {  	[tilespmem:s26+$0xE0] =	vst v1;
	v1 =	vmul.f32 $8.000000000e+00, v5;
	v5 =	vld [tilespmem:s26+$0x150]  }
0xb5: {  	[tilespmem:s26+$0xF0] =	vst v0;
	v0 =	vmul.f32 $8.000000000e+00, v6;
	v6 =	vld [tilespmem:s26+$0x160]  }
0xb6: {  	[tilespmem:s26+$0x100] =	vst v1;
	v1 =	vmul.f32 $8.000000000e+00, v3;
	v3 =	vld [tilespmem:s26+$0x170]  }
0xb7: {  	[tilespmem:s26+$0x110] =	vst v0;
	v0 =	vmul.f32 $8.000000000e+00, v4;
	v4 =	vld [tilespmem:s26+$0x180]  }
0xb8: {  	[tilespmem:s26+$0x120] =	vst v1;
	v1 =	vmul.f32 $8.000000000e+00, v2;
	v7 =	vld [tilespmem:s26+$0x190]  }
0xb9: {  	[tilespmem:s26+$0x130] =	vst v0;
	v2 =	vmul.f32 $8.000000000e+00, v5;
	v8 =	vld [tilespmem:s26+$0x1A0]  }
.Ltmp6:
0xba: {  	[tilespmem:s26+$0x140] =	vst v1;
	v5 =	vmul.f32 $8.000000000e+00, v6;
	v0 =	vld [tilespmem:s26+$0x1B0];
	(pc) =	sbr.rel @p1 .LBB2_10-.Ltmp6, $4  }
0xbb: {  	[tilespmem:s26+$0x150] =	vst v2;
	v3 =	vmul.f32 $8.000000000e+00, v3;
	v1 =	vld [tilespmem:s26+$0x1C0]  }
0xbc: {  	[tilespmem:s26+$0x160] =	vst v5;
	v6 =	vmul.f32 $8.000000000e+00, v4;
	v2 =	vld [tilespmem:s26+$0x1D0]  }
0xbd: {  	[tilespmem:s26+$0x170] =	vst v3;
	v5 =	vmul.f32 $8.000000000e+00, v7;
	v3 =	vld [tilespmem:s26+$0x1E0]  }
0xbe: {  	s26 =	sadd.s32 $0x200, s26;
	v4 =	vld [tilespmem:s24+$0x0];
	[tilespmem:s24+$0x180] =	vst v6;
	v6 =	vmul.f32 $8.000000000e+00, v8  }
0xbf: {  	[tilespmem:s24+$0x190] =	vst v5;
	v0 =	vmul.f32 $8.000000000e+00, v0  }
0xc0: {  	[tilespmem:s24+$0x1A0] =	vst v6;
	v1 =	vmul.f32 $8.000000000e+00, v1  }
0xc1: {  	[tilespmem:s24+$0x1B0] =	vst v0;
	v61 =	vmul.f32 $8.000000000e+00, v2  }
.Ltmp7:
0xc2: {  	s23 =	sadd.s32 s23, s7;
	[tilespmem:s24+$0x1C0] =	vst v1;
	v62 =	vmul.f32 $8.000000000e+00, v3;
	(pc) =	sbr.rel @p0 .LBB2_15-.Ltmp7, $4  }
0xc3: {  	s23 =	sshll.u32 s23, $0xC;
	v63 =	vmul.f32 $8.000000000e+00, v4;
	[tilespmem:s24+$0x1D0] =	vst v61  }
0xc4: {  	s23 =	sand.u32 $0x1FFFF000, s23;
	[tilespmem:s24+$0x1E0] =	vst v62  }
0xc5: {  	s23 =	sadd.s32 s2, s23;
	[tilespmem:s24+$0x0] =	vst v63  }
0xc6: {  	[hbm4b:s23+s3] =	stream.linear.scatter [tilespmem:s12], [sflag:$0x5], $0x8000, $0x38;
	[tilespmem:$0x1E400] =	vst v63  }
0xc7: {  	s23 =	smul.u32 $0x1800, s21  }
0xc8: {  	_ =	swait.ge [sflag:s17], $0x8000  }
0xc9: {  	[sflag:s17] =	ssyncset.done $0x0;
	s23 =	sshra.s32 s23, $0x2  }
0xca: {  	[sflag:s17] =	ssyncadd.s32 $0xFFFF8000;
	s23 =	sadd.s32 $0x800, s23  }
0xcb: {  	[tilespmem:s12], [sflag:$0x2] =	stream.indirect.gather [hbm4b:s5+s10], $0x40, s23, s10, $0xb8;
	[tilespmem:$0x1E400] =	vst v63  }
0xcc: {  	_ =	swait.ge [sflag:s19], $0x8000  }
0xcd: {  	[sflag:s19] =	ssyncset.done $0x0  }
0xce: {  	s23 =	simm.s32 $0x16400;
	[sflag:s19] =	ssyncadd.s32 $0xFFFF8000  }
0xcf: {  	v0 =	vld [tilespmem:s23+$0x1F0]  }
0xd0: {  	v1 =	vld [tilespmem:s23+$0x10]  }
0xd1: {  	v2 =	vld [tilespmem:s23+$0x20]  }
0xd2: {  	v3 =	vld [tilespmem:s23+$0x30]  }
0xd3: {  	v4 =	vld [tilespmem:s23+$0x40]  }
0xd4: {  	v5 =	vld [tilespmem:s23+$0x50];
	v0 =	vmul.f32 $8.000000000e+00, v0  }
0xd5: {  	v6 =	vld [tilespmem:s23+$0x60];
	v1 =	vmul.f32 $8.000000000e+00, v1  }
0xd6: {  	v7 =	vld [tilespmem:s23+$0x70];
	v2 =	vmul.f32 $8.000000000e+00, v2;
	[tilespmem:s23+$0x1F0] =	vst v0  }
0xd7: {  	[tilespmem:s23+$0x10] =	vst v1;
	v0 =	vmul.f32 $8.000000000e+00, v3;
	v1 =	vld [tilespmem:s23+$0x80]  }
0xd8: {  	[tilespmem:s23+$0x20] =	vst v2;
	v2 =	vmul.f32 $8.000000000e+00, v4;
	v3 =	vld [tilespmem:s23+$0x90]  }
0xd9: {  	v4 =	vld [tilespmem:s23+$0xA0];
	[tilespmem:s23+$0x30] =	vst v0;
	v0 =	vmul.f32 $8.000000000e+00, v5  }
0xda: {  	[tilespmem:s23+$0x40] =	vst v2;
	v2 =	vmul.f32 $8.000000000e+00, v6;
	v5 =	vld [tilespmem:s23+$0xB0]  }
0xdb: {  	v6 =	vld [tilespmem:s23+$0xC0];
	[tilespmem:s23+$0x50] =	vst v0;
	v0 =	vmul.f32 $8.000000000e+00, v7  }
0xdc: {  	[tilespmem:s23+$0x60] =	vst v2;
	v2 =	vld [tilespmem:s23+$0xD0];
	v1 =	vmul.f32 $8.000000000e+00, v1  }
0xdd: {  	[tilespmem:s23+$0x70] =	vst v0;
	v0 =	vmul.f32 $8.000000000e+00, v3;
	v3 =	vld [tilespmem:s23+$0xE0]  }
0xde: {  	[tilespmem:s23+$0x80] =	vst v1;
	v1 =	vmul.f32 $8.000000000e+00, v4;
	v4 =	vld [tilespmem:s23+$0xF0]  }
0xdf: {  	[tilespmem:s23+$0x90] =	vst v0;
	v0 =	vmul.f32 $8.000000000e+00, v5;
	v5 =	vld [tilespmem:s23+$0x100]  }
0xe0: {  	[tilespmem:s23+$0xA0] =	vst v1;
	v1 =	vmul.f32 $8.000000000e+00, v6;
	v6 =	vld [tilespmem:s23+$0x110]  }
0xe1: {  	[tilespmem:s23+$0xB0] =	vst v0;
	v0 =	vmul.f32 $8.000000000e+00, v2;
	v2 =	vld [tilespmem:s23+$0x120]  }
0xe2: {  	[tilespmem:s23+$0xC0] =	vst v1;
	v1 =	vmul.f32 $8.000000000e+00, v3;
	v3 =	vld [tilespmem:s23+$0x130]  }
0xe3: {  	[tilespmem:s23+$0xD0] =	vst v0;
	v0 =	vmul.f32 $8.000000000e+00, v4;
	v4 =	vld [tilespmem:s23+$0x140]  }
0xe4: {  	[tilespmem:s23+$0xE0] =	vst v1;
	v1 =	vmul.f32 $8.000000000e+00, v5;
	v5 =	vld [tilespmem:s23+$0x150]  }
0xe5: {  	[tilespmem:s23+$0xF0] =	vst v0;
	v0 =	vmul.f32 $8.000000000e+00, v6;
	v6 =	vld [tilespmem:s23+$0x160]  }
0xe6: {  	[tilespmem:s23+$0x100] =	vst v1;
	v1 =	vmul.f32 $8.000000000e+00, v2;
	v2 =	vld [tilespmem:s23+$0x170]  }
0xe7: {  	[tilespmem:s23+$0x110] =	vst v0;
	v0 =	vmul.f32 $8.000000000e+00, v3;
	v3 =	vld [tilespmem:s23+$0x180]  }
0xe8: {  	[tilespmem:s23+$0x120] =	vst v1;
	v1 =	vmul.f32 $8.000000000e+00, v4;
	v4 =	vld [tilespmem:s23+$0x190]  }
0xe9: {  	v7 =	vld [tilespmem:s23+$0x1A0];
	[tilespmem:s23+$0x130] =	vst v0;
	v5 =	vmul.f32 $8.000000000e+00, v5  }
0xea: {  	v0 =	vld [tilespmem:s23+$0x1B0];
	[tilespmem:s23+$0x140] =	vst v1;
	v6 =	vmul.f32 $8.000000000e+00, v6  }
0xeb: {  	v1 =	vld [tilespmem:s23+$0x1C0];
	[tilespmem:s23+$0x150] =	vst v5;
	v5 =	vmul.f32 $8.000000000e+00, v2  }
0xec: {  	v2 =	vld [tilespmem:s23+$0x1D0];
	[tilespmem:s23+$0x160] =	vst v6;
	v6 =	vmul.f32 $8.000000000e+00, v3  }
0xed: {  	v3 =	vld [tilespmem:s23+$0x1E0];
	[tilespmem:s23+$0x170] =	vst v5;
	v5 =	vmul.f32 $8.000000000e+00, v4  }
0xee: {  	s24 =	simm.s32 $0x0;
	s25 =	simm.s32 $0x16600;
	v4 =	vld [tilespmem:s23+$0x0];
	[tilespmem:s23+$0x180] =	vst v6;
	v6 =	vmul.f32 $8.000000000e+00, v7  }
.LBB2_13:
0xef: {  	v7 =	vld [tilespmem:s25+$0x1F0];
	s24 =	sadd.s32 $0x8, s24;
	[tilespmem:s23+$0x190] =	vst v5;
	v0 =	vmul.f32 $8.000000000e+00, v0  }
0xf0: {  	v5 =	vld [tilespmem:s25+$0x10];
	p0 =	slt.u32 s24, $0x1F8;
	[tilespmem:s23+$0x1A0] =	vst v6;
	v1 =	vmul.f32 $8.000000000e+00, v1  }
0xf1: {  	v6 =	vld [tilespmem:s25+$0x20];
	[tilespmem:s23+$0x1B0] =	vst v0;
	v0 =	vmul.f32 $8.000000000e+00, v2  }
0xf2: {  	v2 =	vld [tilespmem:s25+$0x30];
	[tilespmem:s23+$0x1C0] =	vst v1;
	v1 =	vmul.f32 $8.000000000e+00, v3  }
0xf3: {  	v3 =	vld [tilespmem:s25+$0x40];
	v4 =	vmul.f32 $8.000000000e+00, v4;
	[tilespmem:s23+$0x1D0] =	vst v0  }
0xf4: {  	v0 =	vld [tilespmem:s25+$0x50];
	v7 =	vmul.f32 $8.000000000e+00, v7;
	[tilespmem:s23+$0x1E0] =	vst v1  }
0xf5: {  	v1 =	vmul.f32 $8.000000000e+00, v5;
	v5 =	vld [tilespmem:s25+$0x60];
	[tilespmem:s23+$0x0] =	vst v4;
	s23 =	smov.u32 s25  }
0xf6: {  	v4 =	vmul.f32 $8.000000000e+00, v6;
	v6 =	vld [tilespmem:s25+$0x70];
	[tilespmem:s25+$0x1F0] =	vst v7  }
0xf7: {  	[tilespmem:s25+$0x10] =	vst v1;
	v1 =	vmul.f32 $8.000000000e+00, v2;
	v2 =	vld [tilespmem:s25+$0x80]  }
0xf8: {  	[tilespmem:s25+$0x20] =	vst v4;
	v3 =	vmul.f32 $8.000000000e+00, v3;
	v4 =	vld [tilespmem:s25+$0x90]  }
0xf9: {  	[tilespmem:s25+$0x30] =	vst v1;
	v0 =	vmul.f32 $8.000000000e+00, v0;
	v1 =	vld [tilespmem:s25+$0xA0]  }
0xfa: {  	[tilespmem:s25+$0x40] =	vst v3;
	v3 =	vmul.f32 $8.000000000e+00, v5;
	v5 =	vld [tilespmem:s25+$0xB0]  }
0xfb: {  	[tilespmem:s25+$0x50] =	vst v0;
	v0 =	vmul.f32 $8.000000000e+00, v6;
	v6 =	vld [tilespmem:s25+$0xC0]  }
0xfc: {  	[tilespmem:s25+$0x60] =	vst v3;
	v2 =	vmul.f32 $8.000000000e+00, v2;
	v3 =	vld [tilespmem:s25+$0xD0]  }
0xfd: {  	[tilespmem:s25+$0x70] =	vst v0;
	v0 =	vmul.f32 $8.000000000e+00, v4;
	v4 =	vld [tilespmem:s25+$0xE0]  }
0xfe: {  	[tilespmem:s25+$0x80] =	vst v2;
	v1 =	vmul.f32 $8.000000000e+00, v1;
	v2 =	vld [tilespmem:s25+$0xF0]  }
0xff: {  	[tilespmem:s25+$0x90] =	vst v0;
	v0 =	vmul.f32 $8.000000000e+00, v5;
	v5 =	vld [tilespmem:s25+$0x100]  }
0x100: {  	[tilespmem:s25+$0xA0] =	vst v1;
	v1 =	vmul.f32 $8.000000000e+00, v6;
	v6 =	vld [tilespmem:s25+$0x110]  }
0x101: {  	[tilespmem:s25+$0xB0] =	vst v0;
	v0 =	vmul.f32 $8.000000000e+00, v3;
	v3 =	vld [tilespmem:s25+$0x120]  }
0x102: {  	[tilespmem:s25+$0xC0] =	vst v1;
	v1 =	vmul.f32 $8.000000000e+00, v4;
	v4 =	vld [tilespmem:s25+$0x130]  }
0x103: {  	[tilespmem:s25+$0xD0] =	vst v0;
	v0 =	vmul.f32 $8.000000000e+00, v2;
	v2 =	vld [tilespmem:s25+$0x140]  }
0x104: {  	[tilespmem:s25+$0xE0] =	vst v1;
	v1 =	vmul.f32 $8.000000000e+00, v5;
	v5 =	vld [tilespmem:s25+$0x150]  }
0x105: {  	[tilespmem:s25+$0xF0] =	vst v0;
	v0 =	vmul.f32 $8.000000000e+00, v6;
	v6 =	vld [tilespmem:s25+$0x160]  }
0x106: {  	[tilespmem:s25+$0x100] =	vst v1;
	v1 =	vmul.f32 $8.000000000e+00, v3;
	v3 =	vld [tilespmem:s25+$0x170]  }
0x107: {  	[tilespmem:s25+$0x110] =	vst v0;
	v0 =	vmul.f32 $8.000000000e+00, v4;
	v4 =	vld [tilespmem:s25+$0x180]  }
0x108: {  	[tilespmem:s25+$0x120] =	vst v1;
	v1 =	vmul.f32 $8.000000000e+00, v2;
	v7 =	vld [tilespmem:s25+$0x190]  }
0x109: {  	[tilespmem:s25+$0x130] =	vst v0;
	v2 =	vmul.f32 $8.000000000e+00, v5;
	v8 =	vld [tilespmem:s25+$0x1A0]  }
.Ltmp8:
0x10a: {  	[tilespmem:s25+$0x140] =	vst v1;
	v5 =	vmul.f32 $8.000000000e+00, v6;
	v0 =	vld [tilespmem:s25+$0x1B0];
	(pc) =	sbr.rel @p0 .LBB2_13-.Ltmp8, $4  }
0x10b: {  	[tilespmem:s25+$0x150] =	vst v2;
	v3 =	vmul.f32 $8.000000000e+00, v3;
	v1 =	vld [tilespmem:s25+$0x1C0]  }
0x10c: {  	[tilespmem:s25+$0x160] =	vst v5;
	v6 =	vmul.f32 $8.000000000e+00, v4;
	v2 =	vld [tilespmem:s25+$0x1D0]  }
0x10d: {  	[tilespmem:s25+$0x170] =	vst v3;
	v5 =	vmul.f32 $8.000000000e+00, v7;
	v3 =	vld [tilespmem:s25+$0x1E0]  }
0x10e: {  	s25 =	sadd.s32 $0x200, s25;
	v4 =	vld [tilespmem:s23+$0x0];
	[tilespmem:s23+$0x180] =	vst v6;
	v6 =	vmul.f32 $8.000000000e+00, v8  }
0x10f: {  	[tilespmem:s23+$0x190] =	vst v5;
	v0 =	vmul.f32 $8.000000000e+00, v0  }
0x110: {  	[tilespmem:s23+$0x1A0] =	vst v6;
	v1 =	vmul.f32 $8.000000000e+00, v1  }
0x111: {  	[tilespmem:s23+$0x1B0] =	vst v0;
	v61 =	vmul.f32 $8.000000000e+00, v2  }
.Ltmp9:
0x112: {  	s22 =	sadd.s32 s4, s22;
	[tilespmem:s23+$0x1C0] =	vst v1;
	v62 =	vmul.f32 $8.000000000e+00, v3;
	(pc) =	sbr.rel .LBB2_2-.Ltmp9, $4  }
0x113: {  	s22 =	sshll.u32 s22, $0xC;
	v63 =	vmul.f32 $8.000000000e+00, v4;
	[tilespmem:s23+$0x1D0] =	vst v61  }
0x114: {  	s22 =	sand.u32 $0x1FFFF000, s22;
	[tilespmem:s23+$0x1E0] =	vst v62  }
0x115: {  	s21 =	sadd.s32 $0x1, s21;
	s22 =	sadd.s32 s2, s22;
	[tilespmem:s23+$0x0] =	vst v63  }
0x116: {  	[hbm4b:s22+s3] =	stream.linear.scatter [tilespmem:s13], [sflag:$0x6], $0x8000, $0x38;
	[tilespmem:$0x1E400] =	vst v63  }
.LBB2_16:
0x117: {  	_ =	sfence.sel $0x180000  }
0x118: {  	[bflag:$0x0] =	sbarrier.arrive $0xFFFF  }
0x119: {  	p0 =	sne.s32 s0, $0x0;
	_ =	strace $0x90000047  }
0x11a: {  	s0 =	sadd.s32 @!p0 $0x100000, s1;
	[bflag:$0x2] =	sbarrier.arrive $0xFFFF  }
0x11b: {  	[sflag:s0] =	ssyncadd.tile.s32 @!p0 $0x1;
	_ =	shalt  }
.Lfunc_end2:
_tile_overlayer_lowered:
.L_overlay_start_2:
0x11c: {  	(tag) =	ssettag $0x2  }
0x11d: {  	s0 =	rddreg [dreg:$0x0];
	s2 =	stileid.u32  }
0x11e: {  	s1 =	rddreg [dreg:$0x1];
	p0 =	sne.s32 s2, $0x0  }
0x11f: {  	s3 =	rddreg [dreg:$0x2];
	[bflag:$0x3] =	sbarrier.arrive $0xFFFF;
	s2 =	simm.s32 @!p0 $0x1C07  }
0x120: {  	[timem:s3], [sflag:s2] =	dma.local @!p0 [hbm:s0], s1  }
0x121: {  	s0 =	simm.s32 @!p0 $0x7  }
0x122: {  	_ =	swait.ge @!p0 [sflag:s0], s1  }
0x123: {  	s1 =	ssub.s32 @!p0 $0x0, s1;
	[sflag:s0] =	ssyncset.done @!p0 $0x0  }
0x124: {  	[sflag:s0] =	ssyncadd.s32 @!p0 s1  }
0x125: {  	[bflag:$0x3] =	sbarrier.arrive $0xFFFF  }
0x126: {  	_ =	shalt  }

// kernel: sparse-core-data-format-call.cloned.1.call-start
scs
called_computation_lowered:
.L_overlay_start_0:
0x0: {  	s2 =	sld [smem:$0x3FD9]  }
0x1: {  	s3 =	sld [smem:$0x3FFE];
	_ =	sdelay $0x1  }
0x2: {  	s1 =	srdreg.scid  }
0x3: {  	s0 =	sand.u32 $0x1, s1  }
0x4: {  	s18 =	sshll.u32 s0, $0xA;
	s2 =	sadd.s32 s3, s2  }
0x5: {  	s2 =	sadd.s32 s2, s18  }
0x6: {  	[smem:$0x3FC6] =	sst s2  }
0x7: {  	_ = 	snop  }
0x8: {  	s2 =	sld [smem:$0x3FD0];
	(tm) =	ssettm $0x1  }
0x9: {  	s19 =	sld [smem:$0x3FFB];
	_ =	sdelay $0x3  }
0xa: {  	_ =	strace s19  }
0xb: {  	s3 =	sld [smem:$0x3FFC];
	_ =	sdelay $0x3  }
0xc: {  	_ =	strace s3  }
0xd: {  	s3 =	sld [smem:$0x3FFD];
	_ =	sdelay $0x3  }
0xe: {  	_ =	strace s3  }
0xf: {  	_ =	strace $0x8FFFFFFF  }
0x10: {  	s20 =	sld [smem:$0x3FDB];
	_ =	sdelay $0x1  }
0x11: {  	s4 =	simm.s32 $_scs_section_size  }
0x12: {  	s5 =	simm.s32 $_size__tile_overlayer_lowered;
	s6 =	simm.s32 $_tile_overlayer_lowered  }
0x13: {  	s23 =	simm.s32 $0x1BFF;
	s22 =	sshll.u32 s6, $0x1;
	s3 =	sadd.s32 s4, s20  }
0x14: {  	s7 =	simm.s32 $0x0;
	s21 =	sshll.u32 s5, $0x1;
	s5 =	sadd.s32 s22, s3  }
0x15: {  	[timem:s7], [sflag:s23] =	dma.local [hbm:s5], s21  }
0x16: {  	_ =	swait.ge [sflag:s23], s21  }
0x17: {  	s4 =	ssub.s32 $0x0, s21;
	[sflag:s23] =	ssyncset.done $0x0  }
0x18: {  	[sflag:s23] =	ssyncadd.s32 s4;
	_ =	sdelay $0x1  }
0x19: {  	s24 =	simm.s32 $0x1B8B  }
0x1a: {  	_ =	swait.ge [sflag:s24], $0x1  }
0x1b: {  	[sflag:s24] =	ssyncset.done $0x0  }
0x1c: {  	s26 =	simm.s32 $0x1B8E;
	s25 =	sld [smem:$0x3FFE];
	[sflag:s24] =	ssyncadd.s32 $0xFFFFFFFF  }
0x1d: {  	s27 =	simm.s32 $execute0_lowered;
	[smem:$0x3FD2] =	sst s26  }
0x1e: {  	s5 =	sshll.u32 s27, $0x1;
	_ =	strace $0x80000049;
	[dreg:$0x1] =	wrdreg $0xFFFFFFFF  }
0x1f: {  	s28 =	simm.s32 $_size_execute0_lowered;
	s3 =	sadd.s32 s3, s5;
	[dreg:$0x0] =	wrdreg $0x0  }
0x20: {  	s5 =	sshll.u32 s28, $0x1;
	[dreg:$0x2] =	wrdreg s3  }
0x21: {  	[dreg:$0x3] =	wrdreg s5  }
0x22: {  	[dreg:$0x4] =	wrdreg $0xC0  }
0x23: {  	_ =	task [dreg:s7], $0x5FFFF  }
0x24: {  	[dreg:$0x1] =	wrdreg $0xFFFFFFFF  }
0x25: {  	[dreg:$0x0] =	wrdreg $0x60  }
0x26: {  	[dreg:$0x2] =	wrdreg s25  }
0x27: {  	[dreg:$0x3] =	wrdreg s2  }
0x28: {  	[dreg:$0x4] =	wrdreg $0x9  }
0x29: {  	_ =	task.clear_ibuf [dreg:s7], $0x5FFFF;
	_ =	strace $0x90000049  }
0x2a: {  	s29 =	simm.s32 $0x9;
	_ =	strace $0x8000004B  }
0x2b: {  	_ =	swait.ge [sflag:s29], $0x1  }
0x2c: {  	[sflag:s29] =	ssyncadd.s32 $0xFFFFFFFF  }
0x2d: {  	_ =	strace $0x9000004B  }
0x2e: {  	_ =	sfence  }
0x2f: {  	s30 =	sld [smem:$0x0];
	_ =	sdelay $0x2  }
0x30: {  	s31 =	sshll.u32 s1, $0xD;
	s1 =	sshrl.u32 s1, $0x2  }
0x31: {  	s3 =	sand.u32 $0x4000, s31;
	s1 =	sadd.s32 s1, s30  }
0x32: {  	s0 =	sor.u32 s3, s0;
	s1 =	sshll.u32 s1, $0x11  }
0x33: {  	s0 =	sor.u32 s1, s0  }
0x34: {  	s0 =	sadd.s32 $0x8F2B, s0  }
0x35: {  	[sflag:s0] =	ssyncadd.remote.s32 $0x1  }
0x36: {  	_ =	sfence.sel $0xFFFF  }
0x37: {  	[dreg:$0x0] =	wrdreg $0xFFFFFFFF;
	(pc) =	sbr.abs _section_cstart, $3  }
0x38: {  	[dreg:$0x1] =	wrdreg $0xFFFFFFFF  }
0x39: {  	_ =	task.clear_ibuf [dreg:s7], $0x2FFFF;
	_ =	strace $0x9FFFFFFF  }
0x3a: {  	(tm) =	ssettm $0x7FFFFFFF  }
0x3b: {  	_ =	shalt  }
tec
execute0_lowered:
.L_overlay_start_1:
0x0: {  	(tag) =	ssettag $0x1  }
0x1: {  	s0 =	srdreg.scid  }
0x2: {  	s1 =	sshll.u32 s0, $0x4  }
0x3: {  	s0 =	stileid.u32;
	s1 =	sand.u32 $0x10, s1  }
0x4: {  	s1 =	sor.u32 s0, s1  }
0x5: {  	s6 =	rddreg [dreg:$0x0];
	s4 =	simm.s32 $0x1;
	s2 =	sshll.u32 s1, $0x7  }
0x6: {  	s7 =	simm.s32 $0x2;
	s12 =	simm.s32 $0x0;
	s1 =	ssub.s32 $0x4000, s2  }
0x7: {  	s8 =	simm.s32 $0x20000;
	s13 =	simm.s32 $0x0;
	s3 =	sand.u32 $0xF80, s1  }
0x8: {  	s9 =	simm.s32 $0x0;
	s5 =	sshrl.u32 s1, $0xC;
	p0 =	sne.s32 s3, $0x0  }
.Ltmp0:
0x9: {  	s1 =	rddreg [dreg:$0x2];
	s4 =	simm.s32 @!p0 $0x0;
	(pc) =	sbr.rel .LBB1_1-.Ltmp0, $4  }
0xa: {  	s11 =	simm.s32 $0x0;
	s3 =	rddreg [dreg:$0x1];
	s5 =	sadd.s32 s4, s5  }
0xb: {  	_ =	strace $0x8000004A;
	s4 =	simm.s32 $0x1;
	s5 =	smul.u32 $0x32, s5  }
0xc: {  	s6 =	sadd.s32 $0xA00, s6;
	s10 =	smov.u32 s2;
	[sflag:s4] =	ssyncpa.u1 $0x0  }
0xd: {  	p0 =	por $0x0, $0x0;
	[sflag:s7] =	ssyncpa.u1 $0x0;
	s7 =	sor.u32 $0x1, s5  }
.LBB1_4:
0xe: {  	s16 =	sshll.u32 s13, $0x3;
	s17 =	sand.u32 $0x78, s13  }
0xf: {  	s30 =	sand.u32 $0x1F800, s13;
	s12 =	sshll.u32 s12, $0x11;
	s16 =	sand.u32 $0x3C00, s16  }
0x10: {  	[tilespmem:s15+$0x810 ss:$0x81] =	vst.msk $0xffff, v2;
	s31 =	sand.u32 $0x7, s13;
	s16 =	sor.u32 s17, s16;
	s17 =	sadd.s32 s3, s30  }
0x11: {  	[tilespmem:s15+$0x1020 ss:$0x81] =	vst.msk $0xffff, v0;
	s13 =	sshll.u32 s31, $0x12;
	s12 =	sadd.s32 s12, s17;
	s16 =	sshrl.u32 s16, $0x3  }
0x12: {  	[tilespmem:s15+$0x0 ss:$0x81] =	vst.msk $0xffff, v1;
	s13 =	sor.u32 $0x400, s13;
	s12 =	sadd.s32 s16, s12  }
0x13: {  	[hbm4b:s12+s13] =	stream.strided.scatter [tilespmem:s14], [sflag:$0x2], $0x2000, s8, s13, $0x20;
	[tilespmem:$0x8080] =	vst v63  }
.LBB1_5:
0x14: {  	s14 =	sadd.s32 $0x1, s9  }
0x15: {  	s12 =	sadd.s32 $0x1000, s10;
	s16 =	smov.u32 s10;
	p2 =	sgt.s32 s14, $0x31  }
0x16: {  	s16 =	smov.u32 @p2 s12  }
0x17: {  	s14 =	simm.s32 @p2 $0x0;
	p2 =	sgt.s32 s16, $0x3FFF  }
0x18: {  	s16 =	smov.u32 @p2 s2;
	p2 =	sne.s32 s11, s7  }
.Ltmp1:
0x19: {  	p1 =	slt.u32 s11, $0x2;
	(pc) =	sbr.rel @!p2 .LBB1_6-.Ltmp1, $4  }
0x1a: {  	s15 =	simm.s32 @!p1 $0x2  }
0x1b: {  	s13 =	smov.u32 s10;
	p0 =	por !p0, !p0;
	_ =	swait.ge @!p1 [sflag:s15], $0x2000  }
0x1c: {  	s12 =	smov.u32 s9;
	[sflag:s15] =	ssyncset.done @!p1 $0x0;
	s9 =	smov.u32 s14  }
0x1d: {  	s11 =	sadd.s32 $0x1, s11;
	[sflag:s15] =	ssyncadd.s32 @!p1 $0xFFFFE000;
	s10 =	smov.u32 s16  }
.LBB1_1:
0x1e: {  	p1 =	sge.u32 s11, s5  }
0x1f: {  	s14 =	sand.u32 @!p1 $0x1FFFFFF, s9  }
0x20: {  	s15 =	smulhi.u32 @!p1 $0x4924925, s14;
	_ =	sdelay $0x1  }
0x21: {  	s15 =	smul.u32 @!p1 $0x38, s15  }
0x22: {  	s16 =	sxor.u32 @!p1 $0xFFFFFFFF, s11;
	s17 =	smul.u32 @!p1 $0x380, s10  }
0x23: {  	s31 =	sadd.s32 $0xFFFFFFFF, s11;
	s16 =	sshll.u32 @!p1 s16, $0xD;
	s14 =	ssub.s32 @!p1 s14, s15  }
0x24: {  	s15 =	sand.u32 @!p1 $0x2000, s16;
	s16 =	sadd.s32 @!p1 s6, s17;
	s14 =	sshll.u32 @!p1 s14, $0x4  }
0x25: {  	s17 =	simm.s32 @!p1 $0x1C00;
	s14 =	sadd.s32 @!p1 s14, s16;
	s16 =	simm.s32 @!p1 $0x40  }
0x26: {  	[tilespmem:s15], [sflag:$0x1] =	stream.strided.gather @!p1 [hbm4b:s14+s16], $0x2000, s17, s16, $0x38;
	[tilespmem:$0x8080] =	vst v63  }
0x27: {  	p1 =	sge.u32 s31, s5  }
.Ltmp2:
0x28: {  	_ = 	snop;
	(pc) =	sbr.rel @p1 .LBB1_5-.Ltmp2, $1  }
0x29: {  	_ =	sdelay $0x3  }
0x2a: {  	s14 =	simm.s32 $0x1  }
0x2b: {  	_ =	swait.ge [sflag:s4], $0x2000;
	s14 =	simm.s32 @!p0 $0x0  }
0x2c: {  	[sflag:s4] =	ssyncset.done $0x0;
	s15 =	sshll.u32 s14, $0xD  }
0x2d: {  	[sflag:s4] =	ssyncadd.s32 $0xFFFFE000;
	s18 =	sor.u32 $0x20, s15  }
0x2e: {  	s14 =	smul.u32 $0x8100, s14;
	v3 =	vld [tilespmem:s18+$0x10]  }
0x2f: {  	s30 =	sand.u32 $0x1, s11;
	v2 =	vld [tilespmem:s18+$0xFFFFFFF0]  }
0x30: {  	s15 =	smul.u32 $0x8100, s30;
	s14 =	sshrl.u32 s14, $0x2;
	v0 =	vld [tilespmem:s18+$0x0]  }
0x31: {  	v1 =	vld [tilespmem:s18+$0xFFFFFFE0];
	s16 =	sor.u32 $0x4000, s14  }
0x32: {  	s31 =	sshrl.u32 s15, $0x2;
	s15 =	sadd.s32 $0x0, s16  }
0x33: {  	s17 =	simm.s32 $0x4;
	s18 =	sadd.s32 $0x40, s18;
	s14 =	sor.u32 $0x4000, s31;
	[tilespmem:s15+$0x1830 ss:$0x81] =	vst.msk $0xffff, v3  }
.LBB1_3:
0x34: {  	v3 =	vld [tilespmem:s18+$0x10];
	p1 =	sne.s32 s17, $0x1FC;
	[tilespmem:s15+$0x810 ss:$0x81] =	vst.msk $0xffff, v2;
	s19 =	smov.u32 s17;
	s17 =	sadd.s32 $0x4, s17  }
.Ltmp3:
0x35: {  	v2 =	vld [tilespmem:s18+$0xFFFFFFF0];
	[tilespmem:s15+$0x1020 ss:$0x81] =	vst.msk $0xffff, v0;
	(pc) =	sbr.rel @p1 .LBB1_3-.Ltmp3, $4  }
0x36: {  	v0 =	vld [tilespmem:s18+$0x0];
	[tilespmem:s15+$0x0 ss:$0x81] =	vst.msk $0xffff, v1  }
0x37: {  	s15 =	sshra.s32 s19, $0x2;
	v1 =	vld [tilespmem:s18+$0xFFFFFFE0]  }
0x38: {  	s15 =	sadd.s32 s15, s16  }
0x39: {  	s18 =	sadd.s32 $0x40, s18;
	[tilespmem:s15+$0x1830 ss:$0x81] =	vst.msk $0xffff, v3  }
.Ltmp4:
0x3a: {  	_ = 	snop;
	(pc) =	sbr.rel .LBB1_4-.Ltmp4, $1  }
0x3b: {  	_ =	sdelay $0x3  }
.LBB1_6:
0x3c: {  	_ =	sfence.sel $0x180000  }
0x3d: {  	s2 =	simm.s32 $0x1;
	[bflag:$0x0] =	sbarrier.arrive $0xFFFF  }
0x3e: {  	s31 =	simm.s32 $0x2;
	[sflag:s2] =	ssyncpa.u1 $0x1  }
0x3f: {  	[sflag:s31] =	ssyncpa.u1 $0x1  }
0x40: {  	p0 =	sne.s32 s0, $0x0;
	_ =	strace $0x9000004A  }
0x41: {  	s0 =	sadd.s32 @!p0 $0x100000, s1;
	[bflag:$0x2] =	sbarrier.arrive $0xFFFF  }
0x42: {  	[sflag:s0] =	ssyncadd.tile.s32 @!p0 $0x1;
	_ =	shalt  }
.Lfunc_end1:
_tile_overlayer_lowered:
.L_overlay_start_2:
0x43: {  	(tag) =	ssettag $0x2  }
0x44: {  	s0 =	rddreg [dreg:$0x0];
	s2 =	stileid.u32  }
0x45: {  	s1 =	rddreg [dreg:$0x1];
	p0 =	sne.s32 s2, $0x0  }
0x46: {  	s3 =	rddreg [dreg:$0x2];
	[bflag:$0x3] =	sbarrier.arrive $0xFFFF;
	s2 =	simm.s32 @!p0 $0x1C01  }
0x47: {  	[timem:s3], [sflag:s2] =	dma.local @!p0 [hbm:s0], s1  }
0x48: {  	s0 =	simm.s32 @!p0 $0x1  }
0x49: {  	_ =	swait.ge @!p0 [sflag:s0], s1  }
0x4a: {  	s1 =	ssub.s32 @!p0 $0x0, s1;
	[sflag:s0] =	ssyncset.done @!p0 $0x0  }
0x4b: {  	[sflag:s0] =	ssyncadd.s32 @!p0 s1  }
0x4c: {  	[bflag:$0x3] =	sbarrier.arrive $0xFFFF  }
0x4d: {  	_ =	shalt  }

</sc_bundles>
